<compile_context>
chip_gen: v7x
topology: tpu7x:2x2x1
jax: 0.10.2.dev20260603
libtpu: 0.0.44.dev20260713+nightly
codegen_flags: <defaults>
</compile_context>

<pallas_src>
import functools

import jax
import jax.numpy as jnp
from jax import lax
from jax.experimental import pallas as pl
from jax.experimental.pallas import tpu as pltpu
from jax.experimental.pallas import tpu_sc as plsc

N, Q, K = 10000, 128, 10
BM1 = 10000

BM2 = 400

NW = 32
NCHK = N // 16
CPT = 20


def _stage1_body(z_ref, wtT_ref, bt_ref, lnw_ref, lnb_ref, woT_ref, bo_ref,
                 p_ref, pbf_ref, x_ref, colsum_ref, ztp_ref):
    step = pl.program_id(0)
    nsteps = pl.num_programs(0)

    z = z_ref[...]
    m = jnp.dot(z, wtT_ref[...], preferred_element_type=jnp.float32)
    m = m + bt_ref[...]
    mu = jnp.mean(m, axis=1, keepdims=True)
    var = jnp.mean((m - mu) * (m - mu), axis=1, keepdims=True)
    mn = (m - mu) / jnp.sqrt(var + 1e-5) * lnw_ref[...] + lnb_ref[...]
    h = jnp.where(mn >= 0, mn, 0.2 * mn)
    ol = jnp.dot(h, woT_ref[...], preferred_element_type=jnp.float32)
    ol = ol + bo_ref[...]
    olmax = jnp.max(ol, axis=1, keepdims=True)
    e = jnp.exp(ol - olmax)
    p = e / jnp.sum(e, axis=1, keepdims=True)
    p_ref[...] = p[:, :K]
    pbf_ref[...] = p.astype(jnp.bfloat16)

    @pl.when(step == 0)
    def _init():
        colsum_ref[...] = jnp.zeros_like(colsum_ref)
        ztp_ref[...] = jnp.zeros_like(ztp_ref)

    colsum_ref[...] += jnp.sum(p, axis=0, keepdims=True)
    ztp_ref[...] += lax.dot_general(z, p, (((0,), (0,)), ((), ())),
                                    preferred_element_type=jnp.float32)

    @pl.when(step == nsteps - 1)
    def _fin():
        cs = colsum_ref[...]
        lane1 = lax.broadcasted_iota(jnp.int32, cs.shape, 1)
        d = jnp.where(lane1 < K, 1.0 / cs + 1e-8, 0.0)
        x_ref[...] = (ztp_ref[...] * d).T[:K, :]


def _sc_argmax_body(pt_hbm, s_hbm, pcl, sbuf, semp, semo):
    sid = lax.axis_index("s")
    cid = lax.axis_index("c")
    wid = sid * 2 + cid
    nch = jnp.where(wid < 17, CPT, CPT - 1)
    chunk0 = wid * (CPT - 1) + jnp.minimum(wid, 17)
    row0 = chunk0 * 16

    cps = [pltpu.make_async_copy(
        pt_hbm.at[pl.ds(c * N + row0, CPT * 16)],
        pcl.at[pl.ds(c * CPT * 16, CPT * 16)], semp) for c in range(K)]
    for cp in cps:
        cp.start()
    for cp in cps:
        cp.wait()

    def body(jj, _):
        off = jj * 16
        best_v = pcl[pl.ds(off, 16)]
        best_i = jnp.zeros((16,), jnp.int32)
        for c in range(1, K):
            v = pcl[pl.ds(c * CPT * 16 + off, 16)]
            upd = v > best_v
            best_i = jnp.where(upd, c, best_i)
            best_v = jnp.where(upd, v, best_v)
        sbuf[pl.ds(off, 16)] = best_i
        return 0

    lax.fori_loop(0, nch, body, 0)

    @pl.when(wid < 17)
    def _():
        cp = pltpu.make_async_copy(
            sbuf.at[pl.ds(0, CPT * 16)],
            s_hbm.at[pl.ds(row0, CPT * 16)], semo)
        cp.start()
        cp.wait()

    @pl.when(wid >= 17)
    def _():
        cp = pltpu.make_async_copy(
            sbuf.at[pl.ds(0, (CPT - 1) * 16)],
            s_hbm.at[pl.ds(row0, (CPT - 1) * 16)], semo)
        cp.start()
        cp.wait()


_sc_argmax = functools.partial(
    pl.kernel,
    mesh=plsc.VectorSubcoreMesh(core_axis_name="c", subcore_axis_name="s"),
    out_type=jax.ShapeDtypeStruct((N,), jnp.int32),
    scratch_types=[
        pltpu.VMEM((K * CPT * 16,), jnp.float32),
        pltpu.VMEM((CPT * 16,), jnp.int32),
        pltpu.SemaphoreType.DMA,
        pltpu.SemaphoreType.DMA,
    ],
)(_sc_argmax_body)


def _stage2_body(a_ref, pbf_ref, pblk_ref, at_ref, acc_ref):
    step = pl.program_id(0)
    nsteps = pl.num_programs(0)

    a_bf = a_ref[...].astype(jnp.bfloat16)
    ap = jnp.dot(a_bf, pbf_ref[...], preferred_element_type=jnp.float32)

    @pl.when(step == 0)
    def _init():
        acc_ref[...] = jnp.zeros_like(acc_ref)

    pblk = pblk_ref[...].astype(jnp.float32)
    acc_ref[...] += lax.dot_general(pblk, ap, (((0,), (0,)), ((), ())),
                                    preferred_element_type=jnp.float32)

    @pl.when(step == nsteps - 1)
    def _fin():
        at_ref[...] = acc_ref[...]


def kernel(Z, A, W_t, b_t, ln_w, ln_b, W_o, b_o):
    wtT = W_t.T
    bt = b_t.reshape(1, Q)
    lnw = ln_w.reshape(1, Q)
    lnb = ln_b.reshape(1, Q)
    woT = jnp.zeros((Q, 128), jnp.float32).at[:, :K].set(W_o.T)
    bo = jnp.full((1, 128), -1e30, jnp.float32).at[0, :K].set(b_o)

    grid1 = N // BM1
    P, p_bf, X_tilde = pl.pallas_call(
        _stage1_body,
        grid=(grid1,),
        in_specs=[
            pl.BlockSpec((BM1, Q), lambda i: (i, 0)),
            pl.BlockSpec((Q, Q), lambda i: (0, 0)),
            pl.BlockSpec((1, Q), lambda i: (0, 0)),
            pl.BlockSpec((1, Q), lambda i: (0, 0)),
            pl.BlockSpec((1, Q), lambda i: (0, 0)),
            pl.BlockSpec((Q, 128), lambda i: (0, 0)),
            pl.BlockSpec((1, 128), lambda i: (0, 0)),
        ],
        out_specs=[
            pl.BlockSpec((BM1, K), lambda i: (i, 0)),
            pl.BlockSpec((BM1, 128), lambda i: (i, 0)),
            pl.BlockSpec((K, Q), lambda i: (0, 0)),
        ],
        out_shape=[
            jax.ShapeDtypeStruct((N, K), jnp.float32),
            jax.ShapeDtypeStruct((N, 128), jnp.bfloat16),
            jax.ShapeDtypeStruct((K, Q), jnp.float32),
        ],
        scratch_shapes=[
            pltpu.VMEM((1, 128), jnp.float32),
            pltpu.VMEM((128, 128), jnp.float32),
        ],
    )(Z, wtT, bt, lnw, lnb, woT, bo)

    pt32 = jnp.pad(P.T.reshape(-1), (0, 128))

    at_full = pl.pallas_call(
        _stage2_body,
        grid=(N // BM2,),
        in_specs=[
            pl.BlockSpec((BM2, N), lambda i: (i, 0)),
            pl.BlockSpec((N, 128), lambda i: (0, 0)),
            pl.BlockSpec((BM2, 128), lambda i: (i, 0)),
        ],
        out_specs=pl.BlockSpec((128, 128), lambda i: (0, 0)),
        out_shape=jax.ShapeDtypeStruct((128, 128), jnp.float32),
        scratch_shapes=[pltpu.VMEM((128, 128), jnp.float32)],
    )(A, p_bf, p_bf)

    S = _sc_argmax(pt32)

    A_tilde = at_full[:K, :K]
    return X_tilde, A_tilde, P, S

# --- scband reference (transcript-rebuilt; emitter-appended) ---
"""Pipeline reference for scband-comm-dense-layer2-22686017257951 (READ-ONLY COPY).

The authoritative reference and input builder live on the scoring server;
editing this copy changes nothing except your own understanding.
"""

import jax, jax.numpy as jnp
import numpy as np

N, Q, K = 10000, 128, 10

def setup_inputs(seed: int = 0) -> dict:
    key = jax.random.key(seed)
    ks = jax.random.split(key, 8)
    Z = jax.random.normal(ks[0], (N, Q), dtype=jnp.float32)
    A = jax.random.uniform(ks[1], (N, N), dtype=jnp.float32)
    W_t = jax.random.normal(ks[2], (Q, Q), dtype=jnp.float32) * (1.0 / np.sqrt(Q))
    b_t = jnp.zeros((Q,), dtype=jnp.float32)
    ln_w = jnp.ones((Q,), dtype=jnp.float32)
    ln_b = jnp.zeros((Q,), dtype=jnp.float32)
    W_o = jax.random.normal(ks[3], (K, Q), dtype=jnp.float32) * (1.0 / np.sqrt(Q))
    b_o = jnp.zeros((K,), dtype=jnp.float32)
    return {"Z": Z, "A": A, "W_t": W_t, "b_t": b_t, "ln_w": ln_w, "ln_b": ln_b, "W_o": W_o, "b_o": b_o}

def _layer_norm(x, w, b, eps=1e-5):
    mu = jnp.mean(x, axis=-1, keepdims=True)
    var = jnp.var(x, axis=-1, keepdims=True)
    return (x - mu) / jnp.sqrt(var + eps) * w + b

def reference(Z, A, W_t, b_t, ln_w, ln_b, W_o, b_o):
    # transform: Linear(in_features, in_features)
    M = Z @ W_t.T + b_t
    # out_norm: LayerNorm(in_features)
    M_norm = _layer_norm(M, ln_w, ln_b)
    # act: LeakyReLU(negative_slope=0.2)
    H = jnp.where(M_norm >= 0, M_norm, 0.2 * M_norm)
    # output_linear -> community logits
    OL = H @ W_o.T + b_o
    P = jax.nn.softmax(OL, axis=1)
    # X_tilde = (Z^T P diag(1/P.sum(0) + 1e-8))^T
    d = 1.0 / jnp.sum(P, axis=0) + 1e-8
    X_tilde = ((Z.T @ P) * d).T
    # A_tilde = P^T (A P)
    A_tilde = P.T @ (A @ P)
    S = jnp.argmax(P, axis=1)
    return X_tilde, A_tilde, P, S

if __name__ == "__main__":
    import jax
    _d = setup_inputs()
    print(jax.jit(kernel)(*tuple(_d.values())))

</pallas_src>

<mosaic_0001>
#map = affine_map<(d0, d1) -> (0)>
module attributes {stable_mosaic.version = 14 : i64} {
  func.func @_sc_argmax_body(%arg0: i32, %arg1: i32, %arg2: memref<100128xf32, #tpu.memory_space<hbm>>, %arg3: memref<10000xi32, #tpu.memory_space<hbm>>, %arg4: memref<3200xf32, #tpu.memory_space<vmem>>, %arg5: memref<320xi32, #tpu.memory_space<vmem>>, %arg6: memref<!tpu.dma_semaphore, #tpu.memory_space<semaphore_mem>>, %arg7: memref<!tpu.dma_semaphore, #tpu.memory_space<semaphore_mem>>) attributes {dimension_semantics = [#tpu.dimension_semantics<core_parallel>, #tpu.dimension_semantics<subcore_parallel>], iteration_bounds = array<i64: 2, 16>, scalar_prefetch = 0 : i64, scratch_operands = 4 : i64, tpu.core_type = #tpu.core_type<sc_vector_subcore>, window_params = [{transform_indices = #map}, {transform_indices = #map}]} {
    %mul3A = arith.constant 2 : i32
    %mul3A_0 = arith.muli %arg1, %mul3A : i32
    %add3A = arith.addi %mul3A_0, %arg0 : i32
    %lt3A = arith.constant 17 : i32
    %lt3A_1 = arith.cmpi slt, %add3A, %lt3A : i32
    %jit3A = arith.constant 20 : i32
    %jit3A_2 = arith.constant 19 : i32
    %select_n3A = arith.select %lt3A_1, %jit3A, %jit3A_2 : i32
    %mul3A_3 = arith.constant 19 : i32
    %mul3A_4 = arith.muli %add3A, %mul3A_3 : i32
    %min3A = arith.constant 17 : i32
    %min3A_5 = arith.minsi %add3A, %min3A : i32
    %add3A_6 = arith.addi %mul3A_4, %min3A_5 : i32
    %mul3A_7 = arith.constant 16 : i32
    %mul3A_8 = arith.muli %add3A_6, %mul3A_7 : i32
    %add3A_9 = arith.constant 0 : i32
    %add3A_10 = arith.addi %add3A_9, %mul3A_8 : i32
    %add3A_11 = arith.constant 10000 : i32
    %add3A_12 = arith.addi %add3A_11, %mul3A_8 : i32
    %add3A_13 = arith.constant 20000 : i32
    %add3A_14 = arith.addi %add3A_13, %mul3A_8 : i32
    %add3A_15 = arith.constant 30000 : i32
    %add3A_16 = arith.addi %add3A_15, %mul3A_8 : i32
    %add3A_17 = arith.constant 40000 : i32
    %add3A_18 = arith.addi %add3A_17, %mul3A_8 : i32
    %add3A_19 = arith.constant 50000 : i32
    %add3A_20 = arith.addi %add3A_19, %mul3A_8 : i32
    %add3A_21 = arith.constant 60000 : i32
    %add3A_22 = arith.addi %add3A_21, %mul3A_8 : i32
    %add3A_23 = arith.constant 70000 : i32
    %add3A_24 = arith.addi %add3A_23, %mul3A_8 : i32
    %add3A_25 = arith.constant 80000 : i32
    %add3A_26 = arith.addi %add3A_25, %mul3A_8 : i32
    %add3A_27 = arith.constant 90000 : i32
    %add3A_28 = arith.addi %add3A_27, %mul3A_8 : i32
    %dma_start3A = arith.constant 0 : i32
    %dma_start3A_29 = tpu.memref_slice %arg4[%dma_start3A] : memref<3200xf32, #tpu.memory_space<vmem>> -> memref<320xf32, #tpu.memory_space<vmem>>
    %dma_start3A_30 = tpu.memref_slice %arg2[%add3A_10] : memref<100128xf32, #tpu.memory_space<hbm>> -> memref<320xf32, #tpu.memory_space<hbm>>
    %dma_start3A_31 = arith.constant 0 : i32
    %dma_start3A_32 = tpu.memref_slice %arg4[%dma_start3A_31] : memref<3200xf32, #tpu.memory_space<vmem>> -> memref<320xf32, #tpu.memory_space<vmem>>
    %dma_start3A_33 = tpu.memref_slice %arg2[%add3A_10] : memref<100128xf32, #tpu.memory_space<hbm>> -> memref<320xf32, #tpu.memory_space<hbm>>
    tpu.enqueue_dma source(%dma_start3A_33 : memref<320xf32, #tpu.memory_space<hbm>>) target(%dma_start3A_32 : memref<320xf32, #tpu.memory_space<vmem>>) target_semaphore(%arg6 : memref<!tpu.dma_semaphore, #tpu.memory_space<semaphore_mem>>)
    %dma_start3A_34 = arith.constant 320 : i32
    %dma_start3A_35 = tpu.memref_slice %arg4[%dma_start3A_34] : memref<3200xf32, #tpu.memory_space<vmem>> -> memref<320xf32, #tpu.memory_space<vmem>>
    %dma_start3A_36 = tpu.memref_slice %arg2[%add3A_12] : memref<100128xf32, #tpu.memory_space<hbm>> -> memref<320xf32, #tpu.memory_space<hbm>>
    %dma_start3A_37 = arith.constant 320 : i32
    %dma_start3A_38 = tpu.memref_slice %arg4[%dma_start3A_37] : memref<3200xf32, #tpu.memory_space<vmem>> -> memref<320xf32, #tpu.memory_space<vmem>>
    %dma_start3A_39 = tpu.memref_slice %arg2[%add3A_12] : memref<100128xf32, #tpu.memory_space<hbm>> -> memref<320xf32, #tpu.memory_space<hbm>>
    tpu.enqueue_dma source(%dma_start3A_39 : memref<320xf32, #tpu.memory_space<hbm>>) target(%dma_start3A_38 : memref<320xf32, #tpu.memory_space<vmem>>) target_semaphore(%arg6 : memref<!tpu.dma_semaphore, #tpu.memory_space<semaphore_mem>>)
    %dma_start3A_40 = arith.constant 640 : i32
    %dma_start3A_41 = tpu.memref_slice %arg4[%dma_start3A_40] : memref<3200xf32, #tpu.memory_space<vmem>> -> memref<320xf32, #tpu.memory_space<vmem>>
    %dma_start3A_42 = tpu.memref_slice %arg2[%add3A_14] : memref<100128xf32, #tpu.memory_space<hbm>> -> memref<320xf32, #tpu.memory_space<hbm>>
    %dma_start3A_43 = arith.constant 640 : i32
    %dma_start3A_44 = tpu.memref_slice %arg4[%dma_start3A_43] : memref<3200xf32, #tpu.memory_space<vmem>> -> memref<320xf32, #tpu.memory_space<vmem>>
    %dma_start3A_45 = tpu.memref_slice %arg2[%add3A_14] : memref<100128xf32, #tpu.memory_space<hbm>> -> memref<320xf32, #tpu.memory_space<hbm>>
    tpu.enqueue_dma source(%dma_start3A_45 : memref<320xf32, #tpu.memory_space<hbm>>) target(%dma_start3A_44 : memref<320xf32, #tpu.memory_space<vmem>>) target_semaphore(%arg6 : memref<!tpu.dma_semaphore, #tpu.memory_space<semaphore_mem>>)
    %dma_start3A_46 = arith.constant 960 : i32
    %dma_start3A_47 = tpu.memref_slice %arg4[%dma_start3A_46] : memref<3200xf32, #tpu.memory_space<vmem>> -> memref<320xf32, #tpu.memory_space<vmem>>
    %dma_start3A_48 = tpu.memref_slice %arg2[%add3A_16] : memref<100128xf32, #tpu.memory_space<hbm>> -> memref<320xf32, #tpu.memory_space<hbm>>
    %dma_start3A_49 = arith.constant 960 : i32
    %dma_start3A_50 = tpu.memref_slice %arg4[%dma_start3A_49] : memref<3200xf32, #tpu.memory_space<vmem>> -> memref<320xf32, #tpu.memory_space<vmem>>
    %dma_start3A_51 = tpu.memref_slice %arg2[%add3A_16] : memref<100128xf32, #tpu.memory_space<hbm>> -> memref<320xf32, #tpu.memory_space<hbm>>
    tpu.enqueue_dma source(%dma_start3A_51 : memref<320xf32, #tpu.memory_space<hbm>>) target(%dma_start3A_50 : memref<320xf32, #tpu.memory_space<vmem>>) target_semaphore(%arg6 : memref<!tpu.dma_semaphore, #tpu.memory_space<semaphore_mem>>)
    %dma_start3A_52 = arith.constant 1280 : i32
    %dma_start3A_53 = tpu.memref_slice %arg4[%dma_start3A_52] : memref<3200xf32, #tpu.memory_space<vmem>> -> memref<320xf32, #tpu.memory_space<vmem>>
    %dma_start3A_54 = tpu.memref_slice %arg2[%add3A_18] : memref<100128xf32, #tpu.memory_space<hbm>> -> memref<320xf32, #tpu.memory_space<hbm>>
    %dma_start3A_55 = arith.constant 1280 : i32
    %dma_start3A_56 = tpu.memref_slice %arg4[%dma_start3A_55] : memref<3200xf32, #tpu.memory_space<vmem>> -> memref<320xf32, #tpu.memory_space<vmem>>
    %dma_start3A_57 = tpu.memref_slice %arg2[%add3A_18] : memref<100128xf32, #tpu.memory_space<hbm>> -> memref<320xf32, #tpu.memory_space<hbm>>
    tpu.enqueue_dma source(%dma_start3A_57 : memref<320xf32, #tpu.memory_space<hbm>>) target(%dma_start3A_56 : memref<320xf32, #tpu.memory_space<vmem>>) target_semaphore(%arg6 : memref<!tpu.dma_semaphore, #tpu.memory_space<semaphore_mem>>)
    %dma_start3A_58 = arith.constant 1600 : i32
    %dma_start3A_59 = tpu.memref_slice %arg4[%dma_start3A_58] : memref<3200xf32, #tpu.memory_space<vmem>> -> memref<320xf32, #tpu.memory_space<vmem>>
    %dma_start3A_60 = tpu.memref_slice %arg2[%add3A_20] : memref<100128xf32, #tpu.memory_space<hbm>> -> memref<320xf32, #tpu.memory_space<hbm>>
    %dma_start3A_61 = arith.constant 1600 : i32
    %dma_start3A_62 = tpu.memref_slice %arg4[%dma_start3A_61] : memref<3200xf32, #tpu.memory_space<vmem>> -> memref<320xf32, #tpu.memory_space<vmem>>
    %dma_start3A_63 = tpu.memref_slice %arg2[%add3A_20] : memref<100128xf32, #tpu.memory_space<hbm>> -> memref<320xf32, #tpu.memory_space<hbm>>
    tpu.enqueue_dma source(%dma_start3A_63 : memref<320xf32, #tpu.memory_space<hbm>>) target(%dma_start3A_62 : memref<320xf32, #tpu.memory_space<vmem>>) target_semaphore(%arg6 : memref<!tpu.dma_semaphore, #tpu.memory_space<semaphore_mem>>)
    %dma_start3A_64 = arith.constant 1920 : i32
    %dma_start3A_65 = tpu.memref_slice %arg4[%dma_start3A_64] : memref<3200xf32, #tpu.memory_space<vmem>> -> memref<320xf32, #tpu.memory_space<vmem>>
    %dma_start3A_66 = tpu.memref_slice %arg2[%add3A_22] : memref<100128xf32, #tpu.memory_space<hbm>> -> memref<320xf32, #tpu.memory_space<hbm>>
    %dma_start3A_67 = arith.constant 1920 : i32
    %dma_start3A_68 = tpu.memref_slice %arg4[%dma_start3A_67] : memref<3200xf32, #tpu.memory_space<vmem>> -> memref<320xf32, #tpu.memory_space<vmem>>
    %dma_start3A_69 = tpu.memref_slice %arg2[%add3A_22] : memref<100128xf32, #tpu.memory_space<hbm>> -> memref<320xf32, #tpu.memory_space<hbm>>
    tpu.enqueue_dma source(%dma_start3A_69 : memref<320xf32, #tpu.memory_space<hbm>>) target(%dma_start3A_68 : memref<320xf32, #tpu.memory_space<vmem>>) target_semaphore(%arg6 : memref<!tpu.dma_semaphore, #tpu.memory_space<semaphore_mem>>)
    %dma_start3A_70 = arith.constant 2240 : i32
    %dma_start3A_71 = tpu.memref_slice %arg4[%dma_start3A_70] : memref<3200xf32, #tpu.memory_space<vmem>> -> memref<320xf32, #tpu.memory_space<vmem>>
    %dma_start3A_72 = tpu.memref_slice %arg2[%add3A_24] : memref<100128xf32, #tpu.memory_space<hbm>> -> memref<320xf32, #tpu.memory_space<hbm>>
    %dma_start3A_73 = arith.constant 2240 : i32
    %dma_start3A_74 = tpu.memref_slice %arg4[%dma_start3A_73] : memref<3200xf32, #tpu.memory_space<vmem>> -> memref<320xf32, #tpu.memory_space<vmem>>
    %dma_start3A_75 = tpu.memref_slice %arg2[%add3A_24] : memref<100128xf32, #tpu.memory_space<hbm>> -> memref<320xf32, #tpu.memory_space<hbm>>
    tpu.enqueue_dma source(%dma_start3A_75 : memref<320xf32, #tpu.memory_space<hbm>>) target(%dma_start3A_74 : memref<320xf32, #tpu.memory_space<vmem>>) target_semaphore(%arg6 : memref<!tpu.dma_semaphore, #tpu.memory_space<semaphore_mem>>)
    %dma_start3A_76 = arith.constant 2560 : i32
    %dma_start3A_77 = tpu.memref_slice %arg4[%dma_start3A_76] : memref<3200xf32, #tpu.memory_space<vmem>> -> memref<320xf32, #tpu.memory_space<vmem>>
    %dma_start3A_78 = tpu.memref_slice %arg2[%add3A_26] : memref<100128xf32, #tpu.memory_space<hbm>> -> memref<320xf32, #tpu.memory_space<hbm>>
    %dma_start3A_79 = arith.constant 2560 : i32
    %dma_start3A_80 = tpu.memref_slice %arg4[%dma_start3A_79] : memref<3200xf32, #tpu.memory_space<vmem>> -> memref<320xf32, #tpu.memory_space<vmem>>
    %dma_start3A_81 = tpu.memref_slice %arg2[%add3A_26] : memref<100128xf32, #tpu.memory_space<hbm>> -> memref<320xf32, #tpu.memory_space<hbm>>
    tpu.enqueue_dma source(%dma_start3A_81 : memref<320xf32, #tpu.memory_space<hbm>>) target(%dma_start3A_80 : memref<320xf32, #tpu.memory_space<vmem>>) target_semaphore(%arg6 : memref<!tpu.dma_semaphore, #tpu.memory_space<semaphore_mem>>)
    %dma_start3A_82 = arith.constant 2880 : i32
    %dma_start3A_83 = tpu.memref_slice %arg4[%dma_start3A_82] : memref<3200xf32, #tpu.memory_space<vmem>> -> memref<320xf32, #tpu.memory_space<vmem>>
    %dma_start3A_84 = tpu.memref_slice %arg2[%add3A_28] : memref<100128xf32, #tpu.memory_space<hbm>> -> memref<320xf32, #tpu.memory_space<hbm>>
    %dma_start3A_85 = arith.constant 2880 : i32
    %dma_start3A_86 = tpu.memref_slice %arg4[%dma_start3A_85] : memref<3200xf32, #tpu.memory_space<vmem>> -> memref<320xf32, #tpu.memory_space<vmem>>
    %dma_start3A_87 = tpu.memref_slice %arg2[%add3A_28] : memref<100128xf32, #tpu.memory_space<hbm>> -> memref<320xf32, #tpu.memory_space<hbm>>
    tpu.enqueue_dma source(%dma_start3A_87 : memref<320xf32, #tpu.memory_space<hbm>>) target(%dma_start3A_86 : memref<320xf32, #tpu.memory_space<vmem>>) target_semaphore(%arg6 : memref<!tpu.dma_semaphore, #tpu.memory_space<semaphore_mem>>)
    %dma_wait3A = arith.constant 0 : i32
    %dma_wait3A_88 = tpu.memref_slice %arg4[%dma_wait3A] : memref<3200xf32, #tpu.memory_space<vmem>> -> memref<320xf32, #tpu.memory_space<vmem>>
    %dma_wait3A_89 = tpu.memref_slice %arg2[%add3A_10] : memref<100128xf32, #tpu.memory_space<hbm>> -> memref<320xf32, #tpu.memory_space<hbm>>
    %dma_wait3A_90 = arith.constant 0 : i32
    %dma_wait3A_91 = tpu.memref_slice %arg4[%dma_wait3A_90] : memref<3200xf32, #tpu.memory_space<vmem>> -> memref<320xf32, #tpu.memory_space<vmem>>
    %dma_wait3A_92 = tpu.memref_slice %arg2[%add3A_10] : memref<100128xf32, #tpu.memory_space<hbm>> -> memref<320xf32, #tpu.memory_space<hbm>>
    tpu.wait_dma2 semaphore(%arg6 : memref<!tpu.dma_semaphore, #tpu.memory_space<semaphore_mem>>) src(%dma_wait3A_92 : memref<320xf32, #tpu.memory_space<hbm>>) dst(%dma_wait3A_91 : memref<320xf32, #tpu.memory_space<vmem>>)
    %dma_wait3A_93 = arith.constant 320 : i32
    %dma_wait3A_94 = tpu.memref_slice %arg4[%dma_wait3A_93] : memref<3200xf32, #tpu.memory_space<vmem>> -> memref<320xf32, #tpu.memory_space<vmem>>
    %dma_wait3A_95 = tpu.memref_slice %arg2[%add3A_12] : memref<100128xf32, #tpu.memory_space<hbm>> -> memref<320xf32, #tpu.memory_space<hbm>>
    %dma_wait3A_96 = arith.constant 320 : i32
    %dma_wait3A_97 = tpu.memref_slice %arg4[%dma_wait3A_96] : memref<3200xf32, #tpu.memory_space<vmem>> -> memref<320xf32, #tpu.memory_space<vmem>>
    %dma_wait3A_98 = tpu.memref_slice %arg2[%add3A_12] : memref<100128xf32, #tpu.memory_space<hbm>> -> memref<320xf32, #tpu.memory_space<hbm>>
    tpu.wait_dma2 semaphore(%arg6 : memref<!tpu.dma_semaphore, #tpu.memory_space<semaphore_mem>>) src(%dma_wait3A_98 : memref<320xf32, #tpu.memory_space<hbm>>) dst(%dma_wait3A_97 : memref<320xf32, #tpu.memory_space<vmem>>)
    %dma_wait3A_99 = arith.constant 640 : i32
    %dma_wait3A_100 = tpu.memref_slice %arg4[%dma_wait3A_99] : memref<3200xf32, #tpu.memory_space<vmem>> -> memref<320xf32, #tpu.memory_space<vmem>>
    %dma_wait3A_101 = tpu.memref_slice %arg2[%add3A_14] : memref<100128xf32, #tpu.memory_space<hbm>> -> memref<320xf32, #tpu.memory_space<hbm>>
    %dma_wait3A_102 = arith.constant 640 : i32
    %dma_wait3A_103 = tpu.memref_slice %arg4[%dma_wait3A_102] : memref<3200xf32, #tpu.memory_space<vmem>> -> memref<320xf32, #tpu.memory_space<vmem>>
    %dma_wait3A_104 = tpu.memref_slice %arg2[%add3A_14] : memref<100128xf32, #tpu.memory_space<hbm>> -> memref<320xf32, #tpu.memory_space<hbm>>
    tpu.wait_dma2 semaphore(%arg6 : memref<!tpu.dma_semaphore, #tpu.memory_space<semaphore_mem>>) src(%dma_wait3A_104 : memref<320xf32, #tpu.memory_space<hbm>>) dst(%dma_wait3A_103 : memref<320xf32, #tpu.memory_space<vmem>>)
    %dma_wait3A_105 = arith.constant 960 : i32
    %dma_wait3A_106 = tpu.memref_slice %arg4[%dma_wait3A_105] : memref<3200xf32, #tpu.memory_space<vmem>> -> memref<320xf32, #tpu.memory_space<vmem>>
    %dma_wait3A_107 = tpu.memref_slice %arg2[%add3A_16] : memref<100128xf32, #tpu.memory_space<hbm>> -> memref<320xf32, #tpu.memory_space<hbm>>
    %dma_wait3A_108 = arith.constant 960 : i32
    %dma_wait3A_109 = tpu.memref_slice %arg4[%dma_wait3A_108] : memref<3200xf32, #tpu.memory_space<vmem>> -> memref<320xf32, #tpu.memory_space<vmem>>
    %dma_wait3A_110 = tpu.memref_slice %arg2[%add3A_16] : memref<100128xf32, #tpu.memory_space<hbm>> -> memref<320xf32, #tpu.memory_space<hbm>>
    tpu.wait_dma2 semaphore(%arg6 : memref<!tpu.dma_semaphore, #tpu.memory_space<semaphore_mem>>) src(%dma_wait3A_110 : memref<320xf32, #tpu.memory_space<hbm>>) dst(%dma_wait3A_109 : memref<320xf32, #tpu.memory_space<vmem>>)
    %dma_wait3A_111 = arith.constant 1280 : i32
    %dma_wait3A_112 = tpu.memref_slice %arg4[%dma_wait3A_111] : memref<3200xf32, #tpu.memory_space<vmem>> -> memref<320xf32, #tpu.memory_space<vmem>>
    %dma_wait3A_113 = tpu.memref_slice %arg2[%add3A_18] : memref<100128xf32, #tpu.memory_space<hbm>> -> memref<320xf32, #tpu.memory_space<hbm>>
    %dma_wait3A_114 = arith.constant 1280 : i32
    %dma_wait3A_115 = tpu.memref_slice %arg4[%dma_wait3A_114] : memref<3200xf32, #tpu.memory_space<vmem>> -> memref<320xf32, #tpu.memory_space<vmem>>
    %dma_wait3A_116 = tpu.memref_slice %arg2[%add3A_18] : memref<100128xf32, #tpu.memory_space<hbm>> -> memref<320xf32, #tpu.memory_space<hbm>>
    tpu.wait_dma2 semaphore(%arg6 : memref<!tpu.dma_semaphore, #tpu.memory_space<semaphore_mem>>) src(%dma_wait3A_116 : memref<320xf32, #tpu.memory_space<hbm>>) dst(%dma_wait3A_115 : memref<320xf32, #tpu.memory_space<vmem>>)
    %dma_wait3A_117 = arith.constant 1600 : i32
    %dma_wait3A_118 = tpu.memref_slice %arg4[%dma_wait3A_117] : memref<3200xf32, #tpu.memory_space<vmem>> -> memref<320xf32, #tpu.memory_space<vmem>>
    %dma_wait3A_119 = tpu.memref_slice %arg2[%add3A_20] : memref<100128xf32, #tpu.memory_space<hbm>> -> memref<320xf32, #tpu.memory_space<hbm>>
    %dma_wait3A_120 = arith.constant 1600 : i32
    %dma_wait3A_121 = tpu.memref_slice %arg4[%dma_wait3A_120] : memref<3200xf32, #tpu.memory_space<vmem>> -> memref<320xf32, #tpu.memory_space<vmem>>
    %dma_wait3A_122 = tpu.memref_slice %arg2[%add3A_20] : memref<100128xf32, #tpu.memory_space<hbm>> -> memref<320xf32, #tpu.memory_space<hbm>>
    tpu.wait_dma2 semaphore(%arg6 : memref<!tpu.dma_semaphore, #tpu.memory_space<semaphore_mem>>) src(%dma_wait3A_122 : memref<320xf32, #tpu.memory_space<hbm>>) dst(%dma_wait3A_121 : memref<320xf32, #tpu.memory_space<vmem>>)
    %dma_wait3A_123 = arith.constant 1920 : i32
    %dma_wait3A_124 = tpu.memref_slice %arg4[%dma_wait3A_123] : memref<3200xf32, #tpu.memory_space<vmem>> -> memref<320xf32, #tpu.memory_space<vmem>>
    %dma_wait3A_125 = tpu.memref_slice %arg2[%add3A_22] : memref<100128xf32, #tpu.memory_space<hbm>> -> memref<320xf32, #tpu.memory_space<hbm>>
    %dma_wait3A_126 = arith.constant 1920 : i32
    %dma_wait3A_127 = tpu.memref_slice %arg4[%dma_wait3A_126] : memref<3200xf32, #tpu.memory_space<vmem>> -> memref<320xf32, #tpu.memory_space<vmem>>
    %dma_wait3A_128 = tpu.memref_slice %arg2[%add3A_22] : memref<100128xf32, #tpu.memory_space<hbm>> -> memref<320xf32, #tpu.memory_space<hbm>>
    tpu.wait_dma2 semaphore(%arg6 : memref<!tpu.dma_semaphore, #tpu.memory_space<semaphore_mem>>) src(%dma_wait3A_128 : memref<320xf32, #tpu.memory_space<hbm>>) dst(%dma_wait3A_127 : memref<320xf32, #tpu.memory_space<vmem>>)
    %dma_wait3A_129 = arith.constant 2240 : i32
    %dma_wait3A_130 = tpu.memref_slice %arg4[%dma_wait3A_129] : memref<3200xf32, #tpu.memory_space<vmem>> -> memref<320xf32, #tpu.memory_space<vmem>>
    %dma_wait3A_131 = tpu.memref_slice %arg2[%add3A_24] : memref<100128xf32, #tpu.memory_space<hbm>> -> memref<320xf32, #tpu.memory_space<hbm>>
    %dma_wait3A_132 = arith.constant 2240 : i32
    %dma_wait3A_133 = tpu.memref_slice %arg4[%dma_wait3A_132] : memref<3200xf32, #tpu.memory_space<vmem>> -> memref<320xf32, #tpu.memory_space<vmem>>
    %dma_wait3A_134 = tpu.memref_slice %arg2[%add3A_24] : memref<100128xf32, #tpu.memory_space<hbm>> -> memref<320xf32, #tpu.memory_space<hbm>>
    tpu.wait_dma2 semaphore(%arg6 : memref<!tpu.dma_semaphore, #tpu.memory_space<semaphore_mem>>) src(%dma_wait3A_134 : memref<320xf32, #tpu.memory_space<hbm>>) dst(%dma_wait3A_133 : memref<320xf32, #tpu.memory_space<vmem>>)
    %dma_wait3A_135 = arith.constant 2560 : i32
    %dma_wait3A_136 = tpu.memref_slice %arg4[%dma_wait3A_135] : memref<3200xf32, #tpu.memory_space<vmem>> -> memref<320xf32, #tpu.memory_space<vmem>>
    %dma_wait3A_137 = tpu.memref_slice %arg2[%add3A_26] : memref<100128xf32, #tpu.memory_space<hbm>> -> memref<320xf32, #tpu.memory_space<hbm>>
    %dma_wait3A_138 = arith.constant 2560 : i32
    %dma_wait3A_139 = tpu.memref_slice %arg4[%dma_wait3A_138] : memref<3200xf32, #tpu.memory_space<vmem>> -> memref<320xf32, #tpu.memory_space<vmem>>
    %dma_wait3A_140 = tpu.memref_slice %arg2[%add3A_26] : memref<100128xf32, #tpu.memory_space<hbm>> -> memref<320xf32, #tpu.memory_space<hbm>>
    tpu.wait_dma2 semaphore(%arg6 : memref<!tpu.dma_semaphore, #tpu.memory_space<semaphore_mem>>) src(%dma_wait3A_140 : memref<320xf32, #tpu.memory_space<hbm>>) dst(%dma_wait3A_139 : memref<320xf32, #tpu.memory_space<vmem>>)
    %dma_wait3A_141 = arith.constant 2880 : i32
    %dma_wait3A_142 = tpu.memref_slice %arg4[%dma_wait3A_141] : memref<3200xf32, #tpu.memory_space<vmem>> -> memref<320xf32, #tpu.memory_space<vmem>>
    %dma_wait3A_143 = tpu.memref_slice %arg2[%add3A_28] : memref<100128xf32, #tpu.memory_space<hbm>> -> memref<320xf32, #tpu.memory_space<hbm>>
    %dma_wait3A_144 = arith.constant 2880 : i32
    %dma_wait3A_145 = tpu.memref_slice %arg4[%dma_wait3A_144] : memref<3200xf32, #tpu.memory_space<vmem>> -> memref<320xf32, #tpu.memory_space<vmem>>
    %dma_wait3A_146 = tpu.memref_slice %arg2[%add3A_28] : memref<100128xf32, #tpu.memory_space<hbm>> -> memref<320xf32, #tpu.memory_space<hbm>>
    tpu.wait_dma2 semaphore(%arg6 : memref<!tpu.dma_semaphore, #tpu.memory_space<semaphore_mem>>) src(%dma_wait3A_146 : memref<320xf32, #tpu.memory_space<hbm>>) dst(%dma_wait3A_145 : memref<320xf32, #tpu.memory_space<vmem>>)
    %while3A = arith.constant 0 : i32
    %while3A_147 = arith.constant 0 : i32
    %while3A_148 = arith.subi %select_n3A, %while3A : i32
    %while3A_149 = arith.addi %while3A, %while3A_148 : i32
    %while3A_150 = arith.constant 1 : i32
    %while3A_151 = arith.divsi %while3A_148, %while3A_150 : i32
    %while3A_152 = arith.muli %while3A_151, %while3A_150 : i32
    %while3A_153 = arith.addi %while3A, %while3A_152 : i32
    %while3A_154 = arith.constant 1 : i32
    %while3A_155 = scf.for %while3A_165 = %while3A to %while3A_153 step %while3A_154 iter_args(%while3A_166 = %while3A_147) -> (i32)  : i32 {
      %mul3A_167 = arith.constant 16 : i32
      %mul3A_168 = arith.muli %while3A_165, %mul3A_167 : i32
      %get3A = arith.index_cast %mul3A_168 : i32 to index
      %get3A_169 = tpu.vector_load %arg4[%get3A] {strides = array<i32>} : memref<3200xf32, #tpu.memory_space<vmem>>, vector<16xf32>,
      %get3A_170 = vector.shape_cast %get3A_169 : vector<16xf32> to vector<16xf32>
      %broadcast_in_dim3A = arith.constant 0 : i32
      %broadcast_in_dim3A_171 = vector.broadcast %broadcast_in_dim3A : i32 to vector<16xi32>
      %add3A_172 = arith.constant 320 : i32
      %add3A_173 = arith.addi %add3A_172, %mul3A_168 : i32
      %get3A_174 = arith.index_cast %add3A_173 : i32 to index
      %get3A_175 = tpu.vector_load %arg4[%get3A_174] {strides = array<i32>} : memref<3200xf32, #tpu.memory_space<vmem>>, vector<16xf32>,
      %get3A_176 = vector.shape_cast %get3A_175 : vector<16xf32> to vector<16xf32>
      %gt3A = arith.cmpf ogt, %get3A_176, %get3A_170 : vector<16xf32>
      %jit3A_177 = arith.constant 1 : i32
      %broadcast_in_dim3A_178 = vector.broadcast %jit3A_177 : i32 to vector<16xi32>
      %select_n3A_179 = arith.select %gt3A, %broadcast_in_dim3A_178, %broadcast_in_dim3A_171 : vector<16xi1>, vector<16xi32>
      %select_n3A_180 = arith.select %gt3A, %get3A_176, %get3A_170 : vector<16xi1>, vector<16xf32>
      %add3A_181 = arith.constant 640 : i32
      %add3A_182 = arith.addi %add3A_181, %mul3A_168 : i32
      %get3A_183 = arith.index_cast %add3A_182 : i32 to index
      %get3A_184 = tpu.vector_load %arg4[%get3A_183] {strides = array<i32>} : memref<3200xf32, #tpu.memory_space<vmem>>, vector<16xf32>,
      %get3A_185 = vector.shape_cast %get3A_184 : vector<16xf32> to vector<16xf32>
      %gt3A_186 = arith.cmpf ogt, %get3A_185, %select_n3A_180 : vector<16xf32>
      %jit3A_187 = arith.constant 2 : i32
      %broadcast_in_dim3A_188 = vector.broadcast %jit3A_187 : i32 to vector<16xi32>
      %select_n3A_189 = arith.select %gt3A_186, %broadcast_in_dim3A_188, %select_n3A_179 : vector<16xi1>, vector<16xi32>
      %select_n3A_190 = arith.select %gt3A_186, %get3A_185, %select_n3A_180 : vector<16xi1>, vector<16xf32>
      %add3A_191 = arith.constant 960 : i32
      %add3A_192 = arith.addi %add3A_191, %mul3A_168 : i32
      %get3A_193 = arith.index_cast %add3A_192 : i32 to index
      %get3A_194 = tpu.vector_load %arg4[%get3A_193] {strides = array<i32>} : memref<3200xf32, #tpu.memory_space<vmem>>, vector<16xf32>,
      %get3A_195 = vector.shape_cast %get3A_194 : vector<16xf32> to vector<16xf32>
      %gt3A_196 = arith.cmpf ogt, %get3A_195, %select_n3A_190 : vector<16xf32>
      %jit3A_197 = arith.constant 3 : i32
      %broadcast_in_dim3A_198 = vector.broadcast %jit3A_197 : i32 to vector<16xi32>
      %select_n3A_199 = arith.select %gt3A_196, %broadcast_in_dim3A_198, %select_n3A_189 : vector<16xi1>, vector<16xi32>
      %select_n3A_200 = arith.select %gt3A_196, %get3A_195, %select_n3A_190 : vector<16xi1>, vector<16xf32>
      %add3A_201 = arith.constant 1280 : i32
      %add3A_202 = arith.addi %add3A_201, %mul3A_168 : i32
      %get3A_203 = arith.index_cast %add3A_202 : i32 to index
      %get3A_204 = tpu.vector_load %arg4[%get3A_203] {strides = array<i32>} : memref<3200xf32, #tpu.memory_space<vmem>>, vector<16xf32>,
      %get3A_205 = vector.shape_cast %get3A_204 : vector<16xf32> to vector<16xf32>
      %gt3A_206 = arith.cmpf ogt, %get3A_205, %select_n3A_200 : vector<16xf32>
      %jit3A_207 = arith.constant 4 : i32
      %broadcast_in_dim3A_208 = vector.broadcast %jit3A_207 : i32 to vector<16xi32>
      %select_n3A_209 = arith.select %gt3A_206, %broadcast_in_dim3A_208, %select_n3A_199 : vector<16xi1>, vector<16xi32>
      %select_n3A_210 = arith.select %gt3A_206, %get3A_205, %select_n3A_200 : vector<16xi1>, vector<16xf32>
      %add3A_211 = arith.constant 1600 : i32
      %add3A_212 = arith.addi %add3A_211, %mul3A_168 : i32
      %get3A_213 = arith.index_cast %add3A_212 : i32 to index
      %get3A_214 = tpu.vector_load %arg4[%get3A_213] {strides = array<i32>} : memref<3200xf32, #tpu.memory_space<vmem>>, vector<16xf32>,
      %get3A_215 = vector.shape_cast %get3A_214 : vector<16xf32> to vector<16xf32>
      %gt3A_216 = arith.cmpf ogt, %get3A_215, %select_n3A_210 : vector<16xf32>
      %jit3A_217 = arith.constant 5 : i32
      %broadcast_in_dim3A_218 = vector.broadcast %jit3A_217 : i32 to vector<16xi32>
      %select_n3A_219 = arith.select %gt3A_216, %broadcast_in_dim3A_218, %select_n3A_209 : vector<16xi1>, vector<16xi32>
      %select_n3A_220 = arith.select %gt3A_216, %get3A_215, %select_n3A_210 : vector<16xi1>, vector<16xf32>
      %add3A_221 = arith.constant 1920 : i32
      %add3A_222 = arith.addi %add3A_221, %mul3A_168 : i32
      %get3A_223 = arith.index_cast %add3A_222 : i32 to index
      %get3A_224 = tpu.vector_load %arg4[%get3A_223] {strides = array<i32>} : memref<3200xf32, #tpu.memory_space<vmem>>, vector<16xf32>,
      %get3A_225 = vector.shape_cast %get3A_224 : vector<16xf32> to vector<16xf32>
      %gt3A_226 = arith.cmpf ogt, %get3A_225, %select_n3A_220 : vector<16xf32>
      %jit3A_227 = arith.constant 6 : i32
      %broadcast_in_dim3A_228 = vector.broadcast %jit3A_227 : i32 to vector<16xi32>
      %select_n3A_229 = arith.select %gt3A_226, %broadcast_in_dim3A_228, %select_n3A_219 : vector<16xi1>, vector<16xi32>
      %select_n3A_230 = arith.select %gt3A_226, %get3A_225, %select_n3A_220 : vector<16xi1>, vector<16xf32>
      %add3A_231 = arith.constant 2240 : i32
      %add3A_232 = arith.addi %add3A_231, %mul3A_168 : i32
      %get3A_233 = arith.index_cast %add3A_232 : i32 to index
      %get3A_234 = tpu.vector_load %arg4[%get3A_233] {strides = array<i32>} : memref<3200xf32, #tpu.memory_space<vmem>>, vector<16xf32>,
      %get3A_235 = vector.shape_cast %get3A_234 : vector<16xf32> to vector<16xf32>
      %gt3A_236 = arith.cmpf ogt, %get3A_235, %select_n3A_230 : vector<16xf32>
      %jit3A_237 = arith.constant 7 : i32
      %broadcast_in_dim3A_238 = vector.broadcast %jit3A_237 : i32 to vector<16xi32>
      %select_n3A_239 = arith.select %gt3A_236, %broadcast_in_dim3A_238, %select_n3A_229 : vector<16xi1>, vector<16xi32>
      %select_n3A_240 = arith.select %gt3A_236, %get3A_235, %select_n3A_230 : vector<16xi1>, vector<16xf32>
      %add3A_241 = arith.constant 2560 : i32
      %add3A_242 = arith.addi %add3A_241, %mul3A_168 : i32
      %get3A_243 = arith.index_cast %add3A_242 : i32 to index
      %get3A_244 = tpu.vector_load %arg4[%get3A_243] {strides = array<i32>} : memref<3200xf32, #tpu.memory_space<vmem>>, vector<16xf32>,
      %get3A_245 = vector.shape_cast %get3A_244 : vector<16xf32> to vector<16xf32>
      %gt3A_246 = arith.cmpf ogt, %get3A_245, %select_n3A_240 : vector<16xf32>
      %jit3A_247 = arith.constant 8 : i32
      %broadcast_in_dim3A_248 = vector.broadcast %jit3A_247 : i32 to vector<16xi32>
      %select_n3A_249 = arith.select %gt3A_246, %broadcast_in_dim3A_248, %select_n3A_239 : vector<16xi1>, vector<16xi32>
      %select_n3A_250 = arith.select %gt3A_246, %get3A_245, %select_n3A_240 : vector<16xi1>, vector<16xf32>
      %add3A_251 = arith.constant 2880 : i32
      %add3A_252 = arith.addi %add3A_251, %mul3A_168 : i32
      %get3A_253 = arith.index_cast %add3A_252 : i32 to index
      %get3A_254 = tpu.vector_load %arg4[%get3A_253] {strides = array<i32>} : memref<3200xf32, #tpu.memory_space<vmem>>, vector<16xf32>,
      %get3A_255 = vector.shape_cast %get3A_254 : vector<16xf32> to vector<16xf32>
      %gt3A_256 = arith.cmpf ogt, %get3A_255, %select_n3A_250 : vector<16xf32>
      %jit3A_257 = arith.constant 9 : i32
      %broadcast_in_dim3A_258 = vector.broadcast %jit3A_257 : i32 to vector<16xi32>
      %select_n3A_259 = arith.select %gt3A_256, %broadcast_in_dim3A_258, %select_n3A_249 : vector<16xi1>, vector<16xi32>
      %select_n3A_260 = arith.select %gt3A_256, %get3A_255, %select_n3A_250 : vector<16xi1>, vector<16xf32>
      %swap3A = arith.index_cast %mul3A_168 : i32 to index
      %swap3A_261 = tpu.vector_load %arg5[%swap3A] {strides = array<i32>} : memref<320xi32, #tpu.memory_space<vmem>>, vector<16xi32>,
      %swap3A_262 = vector.shape_cast %swap3A_261 : vector<16xi32> to vector<16xi32>
      %swap3A_263 = vector.shape_cast %select_n3A_259 : vector<16xi32> to vector<16xi32>
      tpu.vector_store %arg5[%swap3A], %swap3A_263 {strides = array<i32>} : memref<320xi32, #tpu.memory_space<vmem>>, vector<16xi32>,
      %while3A_264 = arith.constant 0 : i32
      scf.yield %while3A_264 : i32
    }
    %while3A_156 = arith.constant 1 : i32
    %while3A_157 = scf.for %while3A_165 = %while3A_153 to %while3A_149 step %while3A_156 iter_args(%while3A_166 = %while3A_155) -> (i32)  : i32 {
      %mul3A_167 = arith.constant 16 : i32
      %mul3A_168 = arith.muli %while3A_165, %mul3A_167 : i32
      %get3A = arith.index_cast %mul3A_168 : i32 to index
      %get3A_169 = tpu.vector_load %arg4[%get3A] {strides = array<i32>} : memref<3200xf32, #tpu.memory_space<vmem>>, vector<16xf32>,
      %get3A_170 = vector.shape_cast %get3A_169 : vector<16xf32> to vector<16xf32>
      %broadcast_in_dim3A = arith.constant 0 : i32
      %broadcast_in_dim3A_171 = vector.broadcast %broadcast_in_dim3A : i32 to vector<16xi32>
      %add3A_172 = arith.constant 320 : i32
      %add3A_173 = arith.addi %add3A_172, %mul3A_168 : i32
      %get3A_174 = arith.index_cast %add3A_173 : i32 to index
      %get3A_175 = tpu.vector_load %arg4[%get3A_174] {strides = array<i32>} : memref<3200xf32, #tpu.memory_space<vmem>>, vector<16xf32>,
      %get3A_176 = vector.shape_cast %get3A_175 : vector<16xf32> to vector<16xf32>
      %gt3A = arith.cmpf ogt, %get3A_176, %get3A_170 : vector<16xf32>
      %jit3A_177 = arith.constant 1 : i32
      %broadcast_in_dim3A_178 = vector.broadcast %jit3A_177 : i32 to vector<16xi32>
      %select_n3A_179 = arith.select %gt3A, %broadcast_in_dim3A_178, %broadcast_in_dim3A_171 : vector<16xi1>, vector<16xi32>
      %select_n3A_180 = arith.select %gt3A, %get3A_176, %get3A_170 : vector<16xi1>, vector<16xf32>
      %add3A_181 = arith.constant 640 : i32
      %add3A_182 = arith.addi %add3A_181, %mul3A_168 : i32
      %get3A_183 = arith.index_cast %add3A_182 : i32 to index
      %get3A_184 = tpu.vector_load %arg4[%get3A_183] {strides = array<i32>} : memref<3200xf32, #tpu.memory_space<vmem>>, vector<16xf32>,
      %get3A_185 = vector.shape_cast %get3A_184 : vector<16xf32> to vector<16xf32>
      %gt3A_186 = arith.cmpf ogt, %get3A_185, %select_n3A_180 : vector<16xf32>
      %jit3A_187 = arith.constant 2 : i32
      %broadcast_in_dim3A_188 = vector.broadcast %jit3A_187 : i32 to vector<16xi32>
      %select_n3A_189 = arith.select %gt3A_186, %broadcast_in_dim3A_188, %select_n3A_179 : vector<16xi1>, vector<16xi32>
      %select_n3A_190 = arith.select %gt3A_186, %get3A_185, %select_n3A_180 : vector<16xi1>, vector<16xf32>
      %add3A_191 = arith.constant 960 : i32
      %add3A_192 = arith.addi %add3A_191, %mul3A_168 : i32
      %get3A_193 = arith.index_cast %add3A_192 : i32 to index
      %get3A_194 = tpu.vector_load %arg4[%get3A_193] {strides = array<i32>} : memref<3200xf32, #tpu.memory_space<vmem>>, vector<16xf32>,
      %get3A_195 = vector.shape_cast %get3A_194 : vector<16xf32> to vector<16xf32>
      %gt3A_196 = arith.cmpf ogt, %get3A_195, %select_n3A_190 : vector<16xf32>
      %jit3A_197 = arith.constant 3 : i32
      %broadcast_in_dim3A_198 = vector.broadcast %jit3A_197 : i32 to vector<16xi32>
      %select_n3A_199 = arith.select %gt3A_196, %broadcast_in_dim3A_198, %select_n3A_189 : vector<16xi1>, vector<16xi32>
      %select_n3A_200 = arith.select %gt3A_196, %get3A_195, %select_n3A_190 : vector<16xi1>, vector<16xf32>
      %add3A_201 = arith.constant 1280 : i32
      %add3A_202 = arith.addi %add3A_201, %mul3A_168 : i32
      %get3A_203 = arith.index_cast %add3A_202 : i32 to index
      %get3A_204 = tpu.vector_load %arg4[%get3A_203] {strides = array<i32>} : memref<3200xf32, #tpu.memory_space<vmem>>, vector<16xf32>,
      %get3A_205 = vector.shape_cast %get3A_204 : vector<16xf32> to vector<16xf32>
      %gt3A_206 = arith.cmpf ogt, %get3A_205, %select_n3A_200 : vector<16xf32>
      %jit3A_207 = arith.constant 4 : i32
      %broadcast_in_dim3A_208 = vector.broadcast %jit3A_207 : i32 to vector<16xi32>
      %select_n3A_209 = arith.select %gt3A_206, %broadcast_in_dim3A_208, %select_n3A_199 : vector<16xi1>, vector<16xi32>
      %select_n3A_210 = arith.select %gt3A_206, %get3A_205, %select_n3A_200 : vector<16xi1>, vector<16xf32>
      %add3A_211 = arith.constant 1600 : i32
      %add3A_212 = arith.addi %add3A_211, %mul3A_168 : i32
      %get3A_213 = arith.index_cast %add3A_212 : i32 to index
      %get3A_214 = tpu.vector_load %arg4[%get3A_213] {strides = array<i32>} : memref<3200xf32, #tpu.memory_space<vmem>>, vector<16xf32>,
      %get3A_215 = vector.shape_cast %get3A_214 : vector<16xf32> to vector<16xf32>
      %gt3A_216 = arith.cmpf ogt, %get3A_215, %select_n3A_210 : vector<16xf32>
      %jit3A_217 = arith.constant 5 : i32
      %broadcast_in_dim3A_218 = vector.broadcast %jit3A_217 : i32 to vector<16xi32>
      %select_n3A_219 = arith.select %gt3A_216, %broadcast_in_dim3A_218, %select_n3A_209 : vector<16xi1>, vector<16xi32>
      %select_n3A_220 = arith.select %gt3A_216, %get3A_215, %select_n3A_210 : vector<16xi1>, vector<16xf32>
      %add3A_221 = arith.constant 1920 : i32
      %add3A_222 = arith.addi %add3A_221, %mul3A_168 : i32
      %get3A_223 = arith.index_cast %add3A_222 : i32 to index
      %get3A_224 = tpu.vector_load %arg4[%get3A_223] {strides = array<i32>} : memref<3200xf32, #tpu.memory_space<vmem>>, vector<16xf32>,
      %get3A_225 = vector.shape_cast %get3A_224 : vector<16xf32> to vector<16xf32>
      %gt3A_226 = arith.cmpf ogt, %get3A_225, %select_n3A_220 : vector<16xf32>
      %jit3A_227 = arith.constant 6 : i32
      %broadcast_in_dim3A_228 = vector.broadcast %jit3A_227 : i32 to vector<16xi32>
      %select_n3A_229 = arith.select %gt3A_226, %broadcast_in_dim3A_228, %select_n3A_219 : vector<16xi1>, vector<16xi32>
      %select_n3A_230 = arith.select %gt3A_226, %get3A_225, %select_n3A_220 : vector<16xi1>, vector<16xf32>
      %add3A_231 = arith.constant 2240 : i32
      %add3A_232 = arith.addi %add3A_231, %mul3A_168 : i32
      %get3A_233 = arith.index_cast %add3A_232 : i32 to index
      %get3A_234 = tpu.vector_load %arg4[%get3A_233] {strides = array<i32>} : memref<3200xf32, #tpu.memory_space<vmem>>, vector<16xf32>,
      %get3A_235 = vector.shape_cast %get3A_234 : vector<16xf32> to vector<16xf32>
      %gt3A_236 = arith.cmpf ogt, %get3A_235, %select_n3A_230 : vector<16xf32>
      %jit3A_237 = arith.constant 7 : i32
      %broadcast_in_dim3A_238 = vector.broadcast %jit3A_237 : i32 to vector<16xi32>
      %select_n3A_239 = arith.select %gt3A_236, %broadcast_in_dim3A_238, %select_n3A_229 : vector<16xi1>, vector<16xi32>
      %select_n3A_240 = arith.select %gt3A_236, %get3A_235, %select_n3A_230 : vector<16xi1>, vector<16xf32>
      %add3A_241 = arith.constant 2560 : i32
      %add3A_242 = arith.addi %add3A_241, %mul3A_168 : i32
      %get3A_243 = arith.index_cast %add3A_242 : i32 to index
      %get3A_244 = tpu.vector_load %arg4[%get3A_243] {strides = array<i32>} : memref<3200xf32, #tpu.memory_space<vmem>>, vector<16xf32>,
      %get3A_245 = vector.shape_cast %get3A_244 : vector<16xf32> to vector<16xf32>
      %gt3A_246 = arith.cmpf ogt, %get3A_245, %select_n3A_240 : vector<16xf32>
      %jit3A_247 = arith.constant 8 : i32
      %broadcast_in_dim3A_248 = vector.broadcast %jit3A_247 : i32 to vector<16xi32>
      %select_n3A_249 = arith.select %gt3A_246, %broadcast_in_dim3A_248, %select_n3A_239 : vector<16xi1>, vector<16xi32>
      %select_n3A_250 = arith.select %gt3A_246, %get3A_245, %select_n3A_240 : vector<16xi1>, vector<16xf32>
      %add3A_251 = arith.constant 2880 : i32
      %add3A_252 = arith.addi %add3A_251, %mul3A_168 : i32
      %get3A_253 = arith.index_cast %add3A_252 : i32 to index
      %get3A_254 = tpu.vector_load %arg4[%get3A_253] {strides = array<i32>} : memref<3200xf32, #tpu.memory_space<vmem>>, vector<16xf32>,
      %get3A_255 = vector.shape_cast %get3A_254 : vector<16xf32> to vector<16xf32>
      %gt3A_256 = arith.cmpf ogt, %get3A_255, %select_n3A_250 : vector<16xf32>
      %jit3A_257 = arith.constant 9 : i32
      %broadcast_in_dim3A_258 = vector.broadcast %jit3A_257 : i32 to vector<16xi32>
      %select_n3A_259 = arith.select %gt3A_256, %broadcast_in_dim3A_258, %select_n3A_249 : vector<16xi1>, vector<16xi32>
      %select_n3A_260 = arith.select %gt3A_256, %get3A_255, %select_n3A_250 : vector<16xi1>, vector<16xf32>
      %swap3A = arith.index_cast %mul3A_168 : i32 to index
      %swap3A_261 = tpu.vector_load %arg5[%swap3A] {strides = array<i32>} : memref<320xi32, #tpu.memory_space<vmem>>, vector<16xi32>,
      %swap3A_262 = vector.shape_cast %swap3A_261 : vector<16xi32> to vector<16xi32>
      %swap3A_263 = vector.shape_cast %select_n3A_259 : vector<16xi32> to vector<16xi32>
      tpu.vector_store %arg5[%swap3A], %swap3A_263 {strides = array<i32>} : memref<320xi32, #tpu.memory_space<vmem>>, vector<16xi32>,
      %while3A_264 = arith.constant 0 : i32
      scf.yield %while3A_264 : i32
    }
    %lt3A_158 = arith.constant 17 : i32
    %lt3A_159 = arith.cmpi slt, %add3A, %lt3A_158 : i32
    %convert_element_type3A = arith.extui %lt3A_159 : i1 to i32
    %cond3A = arith.constant 0 : i32
    %cond3A_160 = arith.cmpi ne, %convert_element_type3A, %cond3A : i32
    scf.if %cond3A_160 {
      %dma_start3A_165 = arith.constant 0 : i32
      %dma_start3A_166 = tpu.memref_slice %arg5[%dma_start3A_165] : memref<320xi32, #tpu.memory_space<vmem>> -> memref<320xi32, #tpu.memory_space<vmem>>
      %dma_start3A_167 = tpu.memref_slice %arg3[%mul3A_8] : memref<10000xi32, #tpu.memory_space<hbm>> -> memref<320xi32, #tpu.memory_space<hbm>>
      %dma_start3A_168 = tpu.memref_slice %arg3[%mul3A_8] : memref<10000xi32, #tpu.memory_space<hbm>> -> memref<320xi32, #tpu.memory_space<hbm>>
      %dma_start3A_169 = arith.constant 0 : i32
      %dma_start3A_170 = tpu.memref_slice %arg5[%dma_start3A_169] : memref<320xi32, #tpu.memory_space<vmem>> -> memref<320xi32, #tpu.memory_space<vmem>>
      tpu.enqueue_dma source(%dma_start3A_170 : memref<320xi32, #tpu.memory_space<vmem>>) target(%dma_start3A_168 : memref<320xi32, #tpu.memory_space<hbm>>) target_semaphore(%arg7 : memref<!tpu.dma_semaphore, #tpu.memory_space<semaphore_mem>>)
      %dma_wait3A_171 = arith.constant 0 : i32
      %dma_wait3A_172 = tpu.memref_slice %arg5[%dma_wait3A_171] : memref<320xi32, #tpu.memory_space<vmem>> -> memref<320xi32, #tpu.memory_space<vmem>>
      %dma_wait3A_173 = tpu.memref_slice %arg3[%mul3A_8] : memref<10000xi32, #tpu.memory_space<hbm>> -> memref<320xi32, #tpu.memory_space<hbm>>
      %dma_wait3A_174 = tpu.memref_slice %arg3[%mul3A_8] : memref<10000xi32, #tpu.memory_space<hbm>> -> memref<320xi32, #tpu.memory_space<hbm>>
      %dma_wait3A_175 = arith.constant 0 : i32
      %dma_wait3A_176 = tpu.memref_slice %arg5[%dma_wait3A_175] : memref<320xi32, #tpu.memory_space<vmem>> -> memref<320xi32, #tpu.memory_space<vmem>>
      tpu.wait_dma2 semaphore(%arg7 : memref<!tpu.dma_semaphore, #tpu.memory_space<semaphore_mem>>) src(%dma_wait3A_176 : memref<320xi32, #tpu.memory_space<vmem>>) dst(%dma_wait3A_174 : memref<320xi32, #tpu.memory_space<hbm>>)
    } else {
    }
    %ge3A = arith.constant 17 : i32
    %ge3A_161 = arith.cmpi sge, %add3A, %ge3A : i32
    %convert_element_type3A_162 = arith.extui %ge3A_161 : i1 to i32
    %cond3A_163 = arith.constant 0 : i32
    %cond3A_164 = arith.cmpi ne, %convert_element_type3A_162, %cond3A_163 : i32
    scf.if %cond3A_164 {
      %dma_start3A_165 = arith.constant 0 : i32
      %dma_start3A_166 = tpu.memref_slice %arg5[%dma_start3A_165] : memref<320xi32, #tpu.memory_space<vmem>> -> memref<304xi32, #tpu.memory_space<vmem>>
      %dma_start3A_167 = tpu.memref_slice %arg3[%mul3A_8] : memref<10000xi32, #tpu.memory_space<hbm>> -> memref<304xi32, #tpu.memory_space<hbm>>
      %dma_start3A_168 = tpu.memref_slice %arg3[%mul3A_8] : memref<10000xi32, #tpu.memory_space<hbm>> -> memref<304xi32, #tpu.memory_space<hbm>>
      %dma_start3A_169 = arith.constant 0 : i32
      %dma_start3A_170 = tpu.memref_slice %arg5[%dma_start3A_169] : memref<320xi32, #tpu.memory_space<vmem>> -> memref<304xi32, #tpu.memory_space<vmem>>
      tpu.enqueue_dma source(%dma_start3A_170 : memref<304xi32, #tpu.memory_space<vmem>>) target(%dma_start3A_168 : memref<304xi32, #tpu.memory_space<hbm>>) target_semaphore(%arg7 : memref<!tpu.dma_semaphore, #tpu.memory_space<semaphore_mem>>)
      %dma_wait3A_171 = arith.constant 0 : i32
      %dma_wait3A_172 = tpu.memref_slice %arg5[%dma_wait3A_171] : memref<320xi32, #tpu.memory_space<vmem>> -> memref<304xi32, #tpu.memory_space<vmem>>
      %dma_wait3A_173 = tpu.memref_slice %arg3[%mul3A_8] : memref<10000xi32, #tpu.memory_space<hbm>> -> memref<304xi32, #tpu.memory_space<hbm>>
      %dma_wait3A_174 = tpu.memref_slice %arg3[%mul3A_8] : memref<10000xi32, #tpu.memory_space<hbm>> -> memref<304xi32, #tpu.memory_space<hbm>>
      %dma_wait3A_175 = arith.constant 0 : i32
      %dma_wait3A_176 = tpu.memref_slice %arg5[%dma_wait3A_175] : memref<320xi32, #tpu.memory_space<vmem>> -> memref<304xi32, #tpu.memory_space<vmem>>
      tpu.wait_dma2 semaphore(%arg7 : memref<!tpu.dma_semaphore, #tpu.memory_space<semaphore_mem>>) src(%dma_wait3A_176 : memref<304xi32, #tpu.memory_space<vmem>>) dst(%dma_wait3A_174 : memref<304xi32, #tpu.memory_space<hbm>>)
    } else {
    }
    return
  }
}

module attributes {stable_mosaic.version = 14 : i64} {
  func.func @_stage1_body(%arg0: i32, %arg1: memref<10000x128xf32, #tpu.memory_space<vmem>>, %arg2: memref<128x128xf32, #tpu.memory_space<vmem>>, %arg3: memref<1x128xf32, #tpu.memory_space<vmem>>, %arg4: memref<1x128xf32, #tpu.memory_space<vmem>>, %arg5: memref<1x128xf32, #tpu.memory_space<vmem>>, %arg6: memref<128x128xf32, #tpu.memory_space<vmem>>, %arg7: memref<1x128xf32, #tpu.memory_space<vmem>>, %arg8: memref<10000x10xf32, #tpu.memory_space<vmem>>, %arg9: memref<10000x128xbf16, #tpu.memory_space<vmem>>, %arg10: memref<10x128xf32, #tpu.memory_space<vmem>>, %arg11: memref<1x128xf32, #tpu.memory_space<vmem>>, %arg12: memref<128x128xf32, #tpu.memory_space<vmem>>) attributes {dimension_semantics = [#tpu.dimension_semantics<arbitrary>], iteration_bounds = array<i64: 1>, scalar_prefetch = 0 : i64, scratch_operands = 2 : i64, tpu.core_type = #tpu.core_type<tc>, window_params = [{transform_indices = @transform_0, window_bounds = array<i64: 10000, 128>}, {pipeline_mode = #tpu.pipeline_mode<synchronous>, transform_indices = @transform_1, window_bounds = array<i64: 128, 128>}, {pipeline_mode = #tpu.pipeline_mode<synchronous>, transform_indices = @transform_2, window_bounds = array<i64: 1, 128>}, {pipeline_mode = #tpu.pipeline_mode<synchronous>, transform_indices = @transform_3, window_bounds = array<i64: 1, 128>}, {pipeline_mode = #tpu.pipeline_mode<synchronous>, transform_indices = @transform_4, window_bounds = array<i64: 1, 128>}, {pipeline_mode = #tpu.pipeline_mode<synchronous>, transform_indices = @transform_5, window_bounds = array<i64: 128, 128>}, {pipeline_mode = #tpu.pipeline_mode<synchronous>, transform_indices = @transform_6, window_bounds = array<i64: 1, 128>}, {transform_indices = @transform_7, window_bounds = array<i64: 10000, 10>}, {transform_indices = @transform_8, window_bounds = array<i64: 10000, 128>}, {pipeline_mode = #tpu.pipeline_mode<synchronous>, transform_indices = @transform_9, window_bounds = array<i64: 10, 128>}]} {
    %get3A = arith.constant 0 : index
    %get3A_0 = arith.constant 0 : index
    %get3A_1 = vector.load %arg1[%get3A, %get3A_0] : memref<10000x128xf32, #tpu.memory_space<vmem>>, vector<10000x128xf32>
    %get3A_2 = arith.constant 0 : index
    %get3A_3 = arith.constant 0 : index
    %get3A_4 = vector.load %arg2[%get3A_2, %get3A_3] : memref<128x128xf32, #tpu.memory_space<vmem>>, vector<128x128xf32>
    %dot_general3A = arith.constant dense<0.000000e+00> : vector<10000x128xf32>
    %dot_general3A_5 = tpu.matmul %get3A_1, %get3A_4, %dot_general3A {dimension_numbers = #tpu.dot_dimension_numbers<[1], [0], [0], [1], [0, 0, 1, 1], [], []>, transpose_lhs_hint = false} : vector<10000x128xf32>, vector<128x128xf32>, vector<10000x128xf32> -> vector<10000x128xf32>
    %get3A_6 = arith.constant 0 : index
    %get3A_7 = arith.constant 0 : index
    %get3A_8 = vector.load %arg3[%get3A_6, %get3A_7] : memref<1x128xf32, #tpu.memory_space<vmem>>, vector<1x128xf32>
    %add3A = vector.broadcast %get3A_8 : vector<1x128xf32> to vector<10000x128xf32>
    %add3A_9 = arith.addf %dot_general3A_5, %add3A : vector<10000x128xf32>
    %reduce_sum3A = arith.constant dense<0.000000e+00> : vector<10000xf32>
    %reduce_sum3A_10 = vector.multi_reduction <add>, %add3A_9, %reduce_sum3A [1] : vector<10000x128xf32> to vector<10000xf32>
    %broadcast_in_dim3A = vector.shape_cast %reduce_sum3A_10 : vector<10000xf32> to vector<10000x1xf32>
    %div3A = arith.constant 1.280000e+02 : f32
    %div3A_11 = vector.broadcast %div3A : f32 to vector<10000x1xf32>
    %div3A_12 = arith.divf %broadcast_in_dim3A, %div3A_11 : vector<10000x1xf32>
    %sub3A = vector.broadcast %div3A_12 : vector<10000x1xf32> to vector<10000x128xf32>
    %sub3A_13 = arith.subf %add3A_9, %sub3A : vector<10000x128xf32>
    %sub3A_14 = vector.broadcast %div3A_12 : vector<10000x1xf32> to vector<10000x128xf32>
    %sub3A_15 = arith.subf %add3A_9, %sub3A_14 : vector<10000x128xf32>
    %mul3A = arith.mulf %sub3A_13, %sub3A_15 : vector<10000x128xf32>
    %reduce_sum3A_16 = arith.constant dense<0.000000e+00> : vector<10000xf32>
    %reduce_sum3A_17 = vector.multi_reduction <add>, %mul3A, %reduce_sum3A_16 [1] : vector<10000x128xf32> to vector<10000xf32>
    %broadcast_in_dim3A_18 = vector.shape_cast %reduce_sum3A_17 : vector<10000xf32> to vector<10000x1xf32>
    %div3A_19 = arith.constant 1.280000e+02 : f32
    %div3A_20 = vector.broadcast %div3A_19 : f32 to vector<10000x1xf32>
    %div3A_21 = arith.divf %broadcast_in_dim3A_18, %div3A_20 : vector<10000x1xf32>
    %sub3A_22 = vector.broadcast %div3A_12 : vector<10000x1xf32> to vector<10000x128xf32>
    %sub3A_23 = arith.subf %add3A_9, %sub3A_22 : vector<10000x128xf32>
    %add3A_24 = arith.constant 9.99999974E-6 : f32
    %add3A_25 = vector.broadcast %add3A_24 : f32 to vector<10000x1xf32>
    %add3A_26 = arith.addf %div3A_21, %add3A_25 : vector<10000x1xf32>
    %sqrt3A = math.sqrt %add3A_26 : vector<10000x1xf32>
    %div3A_27 = vector.broadcast %sqrt3A : vector<10000x1xf32> to vector<10000x128xf32>
    %div3A_28 = arith.divf %sub3A_23, %div3A_27 : vector<10000x128xf32>
    %get3A_29 = arith.constant 0 : index
    %get3A_30 = arith.constant 0 : index
    %get3A_31 = vector.load %arg4[%get3A_29, %get3A_30] : memref<1x128xf32, #tpu.memory_space<vmem>>, vector<1x128xf32>
    %mul3A_32 = vector.broadcast %get3A_31 : vector<1x128xf32> to vector<10000x128xf32>
    %mul3A_33 = arith.mulf %div3A_28, %mul3A_32 : vector<10000x128xf32>
    %get3A_34 = arith.constant 0 : index
    %get3A_35 = arith.constant 0 : index
    %get3A_36 = vector.load %arg5[%get3A_34, %get3A_35] : memref<1x128xf32, #tpu.memory_space<vmem>>, vector<1x128xf32>
    %add3A_37 = vector.broadcast %get3A_36 : vector<1x128xf32> to vector<10000x128xf32>
    %add3A_38 = arith.addf %mul3A_33, %add3A_37 : vector<10000x128xf32>
    %ge3A = arith.constant 0.000000e+00 : f32
    %ge3A_39 = vector.broadcast %ge3A : f32 to vector<10000x128xf32>
    %ge3A_40 = arith.cmpf oge, %add3A_38, %ge3A_39 : vector<10000x128xf32>
    %mul3A_41 = arith.constant 2.000000e-01 : f32
    %mul3A_42 = vector.broadcast %mul3A_41 : f32 to vector<10000x128xf32>
    %mul3A_43 = arith.mulf %mul3A_42, %add3A_38 : vector<10000x128xf32>
    %select_n3A = arith.select %ge3A_40, %add3A_38, %mul3A_43 : vector<10000x128xi1>, vector<10000x128xf32>
    %get3A_44 = arith.constant 0 : index
    %get3A_45 = arith.constant 0 : index
    %get3A_46 = vector.load %arg6[%get3A_44, %get3A_45] : memref<128x128xf32, #tpu.memory_space<vmem>>, vector<128x128xf32>
    %dot_general3A_47 = arith.constant dense<0.000000e+00> : vector<10000x128xf32>
    %dot_general3A_48 = tpu.matmul %select_n3A, %get3A_46, %dot_general3A_47 {dimension_numbers = #tpu.dot_dimension_numbers<[1], [0], [0], [1], [0, 0, 1, 1], [], []>, transpose_lhs_hint = false} : vector<10000x128xf32>, vector<128x128xf32>, vector<10000x128xf32> -> vector<10000x128xf32>
    %get3A_49 = arith.constant 0 : index
    %get3A_50 = arith.constant 0 : index
    %get3A_51 = vector.load %arg7[%get3A_49, %get3A_50] : memref<1x128xf32, #tpu.memory_space<vmem>>, vector<1x128xf32>
    %add3A_52 = vector.broadcast %get3A_51 : vector<1x128xf32> to vector<10000x128xf32>
    %add3A_53 = arith.addf %dot_general3A_48, %add3A_52 : vector<10000x128xf32>
    %reduce_max3A = arith.constant dense<0xFF800000> : vector<10000xf32>
    %reduce_max3A_54 = vector.multi_reduction <maximumf>, %add3A_53, %reduce_max3A [1] : vector<10000x128xf32> to vector<10000xf32>
    %broadcast_in_dim3A_55 = vector.shape_cast %reduce_max3A_54 : vector<10000xf32> to vector<10000x1xf32>
    %sub3A_56 = vector.broadcast %broadcast_in_dim3A_55 : vector<10000x1xf32> to vector<10000x128xf32>
    %sub3A_57 = arith.subf %add3A_53, %sub3A_56 : vector<10000x128xf32>
    %exp3A = math.exp %sub3A_57 : vector<10000x128xf32>
    %reduce_sum3A_58 = arith.constant dense<0.000000e+00> : vector<10000xf32>
    %reduce_sum3A_59 = vector.multi_reduction <add>, %exp3A, %reduce_sum3A_58 [1] : vector<10000x128xf32> to vector<10000xf32>
    %broadcast_in_dim3A_60 = vector.shape_cast %reduce_sum3A_59 : vector<10000xf32> to vector<10000x1xf32>
    %div3A_61 = vector.broadcast %broadcast_in_dim3A_60 : vector<10000x1xf32> to vector<10000x128xf32>
    %div3A_62 = arith.divf %exp3A, %div3A_61 : vector<10000x128xf32>
    %slice3A = vector.extract_strided_slice %div3A_62 {offsets = [0, 0], sizes = [10000, 10], strides = [1, 1]} : vector<10000x128xf32> to vector<10000x10xf32>
    %swap3A = arith.constant 0 : index
    %swap3A_63 = arith.constant 0 : index
    %swap3A_64 = vector.load %arg8[%swap3A, %swap3A_63] : memref<10000x10xf32, #tpu.memory_space<vmem>>, vector<10000x10xf32>
    tpu.vector_store %arg8[%swap3A, %swap3A_63], %slice3A {strides = array<i32>} : memref<10000x10xf32, #tpu.memory_space<vmem>>, vector<10000x10xf32>,
    %convert_element_type3A = arith.truncf %div3A_62 : vector<10000x128xf32> to vector<10000x128xbf16>
    %swap3A_65 = arith.constant 0 : index
    %swap3A_66 = arith.constant 0 : index
    %swap3A_67 = vector.load %arg9[%swap3A_65, %swap3A_66] : memref<10000x128xbf16, #tpu.memory_space<vmem>>, vector<10000x128xbf16>
    tpu.vector_store %arg9[%swap3A_65, %swap3A_66], %convert_element_type3A {strides = array<i32>} : memref<10000x128xbf16, #tpu.memory_space<vmem>>, vector<10000x128xbf16>,
    %eq3A = arith.constant 0 : i32
    %eq3A_68 = arith.cmpi eq, %arg0, %eq3A : i32
    %convert_element_type3A_69 = arith.extui %eq3A_68 : i1 to i32
    %cond3A = arith.constant 0 : i32
    %cond3A_70 = arith.cmpi ne, %convert_element_type3A_69, %cond3A : i32
    scf.if %cond3A_70 {
      %broadcast_in_dim3A_95 = arith.constant 0.000000e+00 : f32
      %broadcast_in_dim3A_96 = vector.broadcast %broadcast_in_dim3A_95 : f32 to vector<1x128xf32>
      %swap3A_97 = arith.constant 0 : index
      %swap3A_98 = arith.constant 0 : index
      %swap3A_99 = vector.load %arg11[%swap3A_97, %swap3A_98] : memref<1x128xf32, #tpu.memory_space<vmem>>, vector<1x128xf32>
      tpu.vector_store %arg11[%swap3A_97, %swap3A_98], %broadcast_in_dim3A_96 {strides = array<i32>} : memref<1x128xf32, #tpu.memory_space<vmem>>, vector<1x128xf32>,
      %broadcast_in_dim3A_100 = arith.constant 0.000000e+00 : f32
      %broadcast_in_dim3A_101 = vector.broadcast %broadcast_in_dim3A_100 : f32 to vector<128x128xf32>
      %swap3A_102 = arith.constant 0 : index
      %swap3A_103 = arith.constant 0 : index
      %swap3A_104 = vector.load %arg12[%swap3A_102, %swap3A_103] : memref<128x128xf32, #tpu.memory_space<vmem>>, vector<128x128xf32>
      tpu.vector_store %arg12[%swap3A_102, %swap3A_103], %broadcast_in_dim3A_101 {strides = array<i32>} : memref<128x128xf32, #tpu.memory_space<vmem>>, vector<128x128xf32>,
    } else {
    }
    %get3A_71 = arith.constant 0 : index
    %get3A_72 = arith.constant 0 : index
    %get3A_73 = vector.load %arg11[%get3A_71, %get3A_72] : memref<1x128xf32, #tpu.memory_space<vmem>>, vector<1x128xf32>
    %reduce_sum3A_74 = arith.constant dense<0.000000e+00> : vector<128xf32>
    %reduce_sum3A_75 = vector.multi_reduction <add>, %div3A_62, %reduce_sum3A_74 [0] : vector<10000x128xf32> to vector<128xf32>
    %broadcast_in_dim3A_76 = vector.shape_cast %reduce_sum3A_75 : vector<128xf32> to vector<1x128xf32>
    %add3A_77 = arith.addf %get3A_73, %broadcast_in_dim3A_76 : vector<1x128xf32>
    %swap3A_78 = arith.constant 0 : index
    %swap3A_79 = arith.constant 0 : index
    %swap3A_80 = vector.load %arg11[%swap3A_78, %swap3A_79] : memref<1x128xf32, #tpu.memory_space<vmem>>, vector<1x128xf32>
    tpu.vector_store %arg11[%swap3A_78, %swap3A_79], %add3A_77 {strides = array<i32>} : memref<1x128xf32, #tpu.memory_space<vmem>>, vector<1x128xf32>,
    %get3A_81 = arith.constant 0 : index
    %get3A_82 = arith.constant 0 : index
    %get3A_83 = vector.load %arg12[%get3A_81, %get3A_82] : memref<128x128xf32, #tpu.memory_space<vmem>>, vector<128x128xf32>
    %dot_general3A_84 = arith.constant dense<0.000000e+00> : vector<128x128xf32>
    %dot_general3A_85 = tpu.matmul %get3A_1, %div3A_62, %dot_general3A_84 {dimension_numbers = #tpu.dot_dimension_numbers<[0], [0], [1], [1], [0, 1, 1, 1], [], []>, transpose_lhs_hint = false} : vector<10000x128xf32>, vector<10000x128xf32>, vector<128x128xf32> -> vector<128x128xf32>
    %add3A_86 = arith.addf %get3A_83, %dot_general3A_85 : vector<128x128xf32>
    %swap3A_87 = arith.constant 0 : index
    %swap3A_88 = arith.constant 0 : index
    %swap3A_89 = vector.load %arg12[%swap3A_87, %swap3A_88] : memref<128x128xf32, #tpu.memory_space<vmem>>, vector<128x128xf32>
    tpu.vector_store %arg12[%swap3A_87, %swap3A_88], %add3A_86 {strides = array<i32>} : memref<128x128xf32, #tpu.memory_space<vmem>>, vector<128x128xf32>,
    %eq3A_90 = arith.constant 0 : i32
    %eq3A_91 = arith.cmpi eq, %arg0, %eq3A_90 : i32
    %convert_element_type3A_92 = arith.extui %eq3A_91 : i1 to i32
    %cond3A_93 = arith.constant 0 : i32
    %cond3A_94 = arith.cmpi ne, %convert_element_type3A_92, %cond3A_93 : i32
    scf.if %cond3A_94 {
      %get3A_95 = arith.constant 0 : index
      %get3A_96 = arith.constant 0 : index
      %get3A_97 = vector.load %arg11[%get3A_95, %get3A_96] : memref<1x128xf32, #tpu.memory_space<vmem>>, vector<1x128xf32>
      %iota3A = tpu.iota {dimensions = array<i32: 1>} : vector<1x128xi32>
      %lt3A = arith.constant 10 : i32
      %lt3A_98 = vector.broadcast %lt3A : i32 to vector<1x128xi32>
      %lt3A_99 = arith.cmpi slt, %iota3A, %lt3A_98 : vector<1x128xi32>
      %div3A_100 = arith.constant 1.000000e+00 : f32
      %div3A_101 = vector.broadcast %div3A_100 : f32 to vector<1x128xf32>
      %div3A_102 = arith.divf %div3A_101, %get3A_97 : vector<1x128xf32>
      %add3A_103 = arith.constant 9.99999993E-9 : f32
      %add3A_104 = vector.broadcast %add3A_103 : f32 to vector<1x128xf32>
      %add3A_105 = arith.addf %div3A_102, %add3A_104 : vector<1x128xf32>
      %jit3A = arith.constant 0.000000e+00 : f32
      %broadcast_in_dim3A_106 = vector.broadcast %jit3A : f32 to vector<1x128xf32>
      %select_n3A_107 = arith.select %lt3A_99, %add3A_105, %broadcast_in_dim3A_106 : vector<1x128xi1>, vector<1x128xf32>
      %get3A_108 = arith.constant 0 : index
      %get3A_109 = arith.constant 0 : index
      %get3A_110 = vector.load %arg12[%get3A_108, %get3A_109] : memref<128x128xf32, #tpu.memory_space<vmem>>, vector<128x128xf32>
      %mul3A_111 = vector.broadcast %select_n3A_107 : vector<1x128xf32> to vector<128x128xf32>
      %mul3A_112 = arith.mulf %get3A_110, %mul3A_111 : vector<128x128xf32>
      %transpose3A = tpu.transpose %mul3A_112, [1, 0] : vector<128x128xf32> -> vector<128x128xf32>
      %slice3A_113 = vector.extract_strided_slice %transpose3A {offsets = [0, 0], sizes = [10, 128], strides = [1, 1]} : vector<128x128xf32> to vector<10x128xf32>
      %swap3A_114 = arith.constant 0 : index
      %swap3A_115 = arith.constant 0 : index
      %swap3A_116 = vector.load %arg10[%swap3A_114, %swap3A_115] : memref<10x128xf32, #tpu.memory_space<vmem>>, vector<10x128xf32>
      tpu.vector_store %arg10[%swap3A_114, %swap3A_115], %slice3A_113 {strides = array<i32>} : memref<10x128xf32, #tpu.memory_space<vmem>>, vector<10x128xf32>,
    } else {
    }
    return
  }
  func.func @transform_0(%arg0: i32) -> (i32, i32) {
    %c0_i32 = arith.constant 0 : i32
    %c0_i32_0 = arith.constant 0 : i32
    return %arg0, %c0_i32 : i32, i32
  }
  func.func @transform_1(%arg0: i32) -> (i32, i32) {
    %c0_i32 = arith.constant 0 : i32
    %c0_i32_0 = arith.constant 0 : i32
    %c0_i32_1 = arith.constant 0 : i32
    return %c0_i32, %c0_i32_0 : i32, i32
  }
  func.func @transform_2(%arg0: i32) -> (i32, i32) {
    %c0_i32 = arith.constant 0 : i32
    %c0_i32_0 = arith.constant 0 : i32
    %c0_i32_1 = arith.constant 0 : i32
    return %c0_i32, %c0_i32_0 : i32, i32
  }
  func.func @transform_3(%arg0: i32) -> (i32, i32) {
    %c0_i32 = arith.constant 0 : i32
    %c0_i32_0 = arith.constant 0 : i32
    %c0_i32_1 = arith.constant 0 : i32
    return %c0_i32, %c0_i32_0 : i32, i32
  }
  func.func @transform_4(%arg0: i32) -> (i32, i32) {
    %c0_i32 = arith.constant 0 : i32
    %c0_i32_0 = arith.constant 0 : i32
    %c0_i32_1 = arith.constant 0 : i32
    return %c0_i32, %c0_i32_0 : i32, i32
  }
  func.func @transform_5(%arg0: i32) -> (i32, i32) {
    %c0_i32 = arith.constant 0 : i32
    %c0_i32_0 = arith.constant 0 : i32
    %c0_i32_1 = arith.constant 0 : i32
    return %c0_i32, %c0_i32_0 : i32, i32
  }
  func.func @transform_6(%arg0: i32) -> (i32, i32) {
    %c0_i32 = arith.constant 0 : i32
    %c0_i32_0 = arith.constant 0 : i32
    %c0_i32_1 = arith.constant 0 : i32
    return %c0_i32, %c0_i32_0 : i32, i32
  }
  func.func @transform_7(%arg0: i32) -> (i32, i32) {
    %c0_i32 = arith.constant 0 : i32
    %c0_i32_0 = arith.constant 0 : i32
    return %arg0, %c0_i32 : i32, i32
  }
  func.func @transform_8(%arg0: i32) -> (i32, i32) {
    %c0_i32 = arith.constant 0 : i32
    %c0_i32_0 = arith.constant 0 : i32
    return %arg0, %c0_i32 : i32, i32
  }
  func.func @transform_9(%arg0: i32) -> (i32, i32) {
    %c0_i32 = arith.constant 0 : i32
    %c0_i32_0 = arith.constant 0 : i32
    %c0_i32_1 = arith.constant 0 : i32
    return %c0_i32, %c0_i32_0 : i32, i32
  }
}

module attributes {stable_mosaic.version = 14 : i64} {
  func.func @_stage2_body(%arg0: i32, %arg1: memref<400x10000xf32, #tpu.memory_space<vmem>>, %arg2: memref<10000x128xbf16, #tpu.memory_space<vmem>>, %arg3: memref<400x128xbf16, #tpu.memory_space<vmem>>, %arg4: memref<128x128xf32, #tpu.memory_space<vmem>>, %arg5: memref<128x128xf32, #tpu.memory_space<vmem>>) attributes {dimension_semantics = [#tpu.dimension_semantics<arbitrary>], iteration_bounds = array<i64: 25>, scalar_prefetch = 0 : i64, scratch_operands = 1 : i64, tpu.core_type = #tpu.core_type<tc>, window_params = [{transform_indices = @transform_0, window_bounds = array<i64: 400, 10000>}, {pipeline_mode = #tpu.pipeline_mode<synchronous>, transform_indices = @transform_1, window_bounds = array<i64: 10000, 128>}, {transform_indices = @transform_2, window_bounds = array<i64: 400, 128>}, {pipeline_mode = #tpu.pipeline_mode<synchronous>, transform_indices = @transform_3, window_bounds = array<i64: 128, 128>}]} {
    %get3A = arith.constant 0 : index
    %get3A_0 = arith.constant 0 : index
    %get3A_1 = vector.load %arg1[%get3A, %get3A_0] : memref<400x10000xf32, #tpu.memory_space<vmem>>, vector<400x10000xf32>
    %convert_element_type3A = arith.truncf %get3A_1 : vector<400x10000xf32> to vector<400x10000xbf16>
    %get3A_2 = arith.constant 0 : index
    %get3A_3 = arith.constant 0 : index
    %get3A_4 = vector.load %arg2[%get3A_2, %get3A_3] : memref<10000x128xbf16, #tpu.memory_space<vmem>>, vector<10000x128xbf16>
    %dot_general3A = arith.constant dense<0.000000e+00> : vector<400x128xf32>
    %dot_general3A_5 = tpu.matmul %convert_element_type3A, %get3A_4, %dot_general3A {dimension_numbers = #tpu.dot_dimension_numbers<[1], [0], [0], [1], [0, 0, 1, 1], [], []>, transpose_lhs_hint = false} : vector<400x10000xbf16>, vector<10000x128xbf16>, vector<400x128xf32> -> vector<400x128xf32>
    %eq3A = arith.constant 0 : i32
    %eq3A_6 = arith.cmpi eq, %arg0, %eq3A : i32
    %convert_element_type3A_7 = arith.extui %eq3A_6 : i1 to i32
    %cond3A = arith.constant 0 : i32
    %cond3A_8 = arith.cmpi ne, %convert_element_type3A_7, %cond3A : i32
    scf.if %cond3A_8 {
      %broadcast_in_dim3A = arith.constant 0.000000e+00 : f32
      %broadcast_in_dim3A_25 = vector.broadcast %broadcast_in_dim3A : f32 to vector<128x128xf32>
      %swap3A_26 = arith.constant 0 : index
      %swap3A_27 = arith.constant 0 : index
      %swap3A_28 = vector.load %arg5[%swap3A_26, %swap3A_27] : memref<128x128xf32, #tpu.memory_space<vmem>>, vector<128x128xf32>
      tpu.vector_store %arg5[%swap3A_26, %swap3A_27], %broadcast_in_dim3A_25 {strides = array<i32>} : memref<128x128xf32, #tpu.memory_space<vmem>>, vector<128x128xf32>,
    } else {
    }
    %get3A_9 = arith.constant 0 : index
    %get3A_10 = arith.constant 0 : index
    %get3A_11 = vector.load %arg3[%get3A_9, %get3A_10] : memref<400x128xbf16, #tpu.memory_space<vmem>>, vector<400x128xbf16>
    %convert_element_type3A_12 = arith.extf %get3A_11 : vector<400x128xbf16> to vector<400x128xf32>
    %get3A_13 = arith.constant 0 : index
    %get3A_14 = arith.constant 0 : index
    %get3A_15 = vector.load %arg5[%get3A_13, %get3A_14] : memref<128x128xf32, #tpu.memory_space<vmem>>, vector<128x128xf32>
    %dot_general3A_16 = arith.constant dense<0.000000e+00> : vector<128x128xf32>
    %dot_general3A_17 = tpu.matmul %convert_element_type3A_12, %dot_general3A_5, %dot_general3A_16 {dimension_numbers = #tpu.dot_dimension_numbers<[0], [0], [1], [1], [0, 1, 1, 1], [], []>, transpose_lhs_hint = false} : vector<400x128xf32>, vector<400x128xf32>, vector<128x128xf32> -> vector<128x128xf32>
    %add3A = arith.addf %get3A_15, %dot_general3A_17 : vector<128x128xf32>
    %swap3A = arith.constant 0 : index
    %swap3A_18 = arith.constant 0 : index
    %swap3A_19 = vector.load %arg5[%swap3A, %swap3A_18] : memref<128x128xf32, #tpu.memory_space<vmem>>, vector<128x128xf32>
    tpu.vector_store %arg5[%swap3A, %swap3A_18], %add3A {strides = array<i32>} : memref<128x128xf32, #tpu.memory_space<vmem>>, vector<128x128xf32>,
    %eq3A_20 = arith.constant 24 : i32
    %eq3A_21 = arith.cmpi eq, %arg0, %eq3A_20 : i32
    %convert_element_type3A_22 = arith.extui %eq3A_21 : i1 to i32
    %cond3A_23 = arith.constant 0 : i32
    %cond3A_24 = arith.cmpi ne, %convert_element_type3A_22, %cond3A_23 : i32
    scf.if %cond3A_24 {
      %get3A_25 = arith.constant 0 : index
      %get3A_26 = arith.constant 0 : index
      %get3A_27 = vector.load %arg5[%get3A_25, %get3A_26] : memref<128x128xf32, #tpu.memory_space<vmem>>, vector<128x128xf32>
      %swap3A_28 = arith.constant 0 : index
      %swap3A_29 = arith.constant 0 : index
      %swap3A_30 = vector.load %arg4[%swap3A_28, %swap3A_29] : memref<128x128xf32, #tpu.memory_space<vmem>>, vector<128x128xf32>
      tpu.vector_store %arg4[%swap3A_28, %swap3A_29], %get3A_27 {strides = array<i32>} : memref<128x128xf32, #tpu.memory_space<vmem>>, vector<128x128xf32>,
    } else {
    }
    return
  }
  func.func @transform_0(%arg0: i32) -> (i32, i32) {
    %c0_i32 = arith.constant 0 : i32
    %c0_i32_0 = arith.constant 0 : i32
    return %arg0, %c0_i32 : i32, i32
  }
  func.func @transform_1(%arg0: i32) -> (i32, i32) {
    %c0_i32 = arith.constant 0 : i32
    %c0_i32_0 = arith.constant 0 : i32
    %c0_i32_1 = arith.constant 0 : i32
    return %c0_i32, %c0_i32_0 : i32, i32
  }
  func.func @transform_2(%arg0: i32) -> (i32, i32) {
    %c0_i32 = arith.constant 0 : i32
    %c0_i32_0 = arith.constant 0 : i32
    return %arg0, %c0_i32 : i32, i32
  }
  func.func @transform_3(%arg0: i32) -> (i32, i32) {
    %c0_i32 = arith.constant 0 : i32
    %c0_i32_0 = arith.constant 0 : i32
    %c0_i32_1 = arith.constant 0 : i32
    return %c0_i32, %c0_i32_0 : i32, i32
  }
}

</mosaic_0001>

<sc_bundles>
// kernel: kernel.5.cloned.1.call-start
scs
__scs_entry_jumppad:
0x0: {  	(pc) =	sbr.rel $0x88, $3  }
0x1: {  	(tag) =	ssettag $0x0;
	lr =	simm.s32 $0x1  }
0x2: {  	[smem:$0x3F99] =	sst lr;
	_ =	strace $0xD0000000  }
0x3: {  	_ = 	snop  }
0x4: {  	_ = 	snop  }
0x5: {  	_ = 	snop  }
0x6: {  	_ = 	snop  }
0x7: {  	_ = 	snop  }
__scs_overlays_trampoline_lowered:
0x8: {  	[smem:$0x3FA8] =	sst s0  }
0x9: {  	[smem:$0x3FA9] =	sst s1  }
0xa: {  	[smem:$0x3FAA] =	sst s2  }
0xb: {  	[smem:$0x3FAB] =	sst s3  }
0xc: {  	[smem:$0x3FAC] =	sst s4  }
0xd: {  	[smem:$0x3FAD] =	sst s5  }
0xe: {  	[smem:$0x3FAE] =	sst s6  }
0xf: {  	[smem:$0x3FAF] =	sst s7  }
0x10: {  	[smem:$0x3FB0] =	sst s8  }
0x11: {  	[smem:$0x3FB1] =	sst s9;
	s0 =	simm.s32 @!p0 $0x0  }
0x12: {  	s1 =	sld [smem:$0x3F97];
	s0 =	simm.s32 @p0 $0x1  }
0x13: {  	[smem:$0x3FB2] =	sst s0;
	s0 =	simm.s32 @!p1 $0x0  }
0x14: {  	s2 =	sld [smem:$0x3F96];
	s0 =	simm.s32 @p1 $0x1  }
0x15: {  	[smem:$0x3FB3] =	sst s0;
	s0 =	simm.s32 @!p2 $0x0  }
0x16: {  	s3 =	sld [smem:$0x3FDB];
	s0 =	simm.s32 @p2 $0x1  }
0x17: {  	s4 =	simm.s32 $0x1BF5;
	[smem:$0x3FB5] =	sst s0  }
0x18: {  	s0 =	sld [smem:$0x3F98];
	_ =	swait.ge [sflag:s4], $0x0  }
0x19: {  	s7 =	sld [smem:$0x3F99]  }
0x1a: {  	s8 =	sadd.s32 $0xFFFFE003, lr  }
0x1b: {  	s9 =	sadd.s32 $0xFFFFFEF7, lr;
	s5 =	simm.s32 $0xFFFFFFFF;
	p2 =	slt.u32 s8, $0xFFFFF086  }
0x1c: {  	p1 =	slt.u32 s9, $0xF7A;
	s5 =	simm.s32 @!p2 $0x0  }
0x1d: {  	s5 =	simm.s32 @p1 $0x1;
	p0 =	seq.s32 s7, s2  }
0x1e: {  	s7 =	smul.u32 @!p0 $0xF7A, s2;
	p2 =	seq.s32 @!p0 s5, $0x0  }
0x1f: {  	s9 =	smul.u32 $0xF7A, s1;
	s8 =	simm.s32 @!p0 $0x1BF5;
	p2 =	por !p2, p0  }
0x20: {  	[sflag:s8] =	ssyncset.s32 @!p0 $0xFFFFF086;
	s6 =	sadd.s32 @!p0 s3, s7;
	s7 =	simm.s32 @!p0 $0x108  }
0x21: {  	s3 =	sadd.s32 s3, s9;
	s6 =	sadd.s32 @!p0 $0x88, s6;
	s7 =	simm.s32 @p2 $0x1082  }
0x22: {  	[simem:s7], [sflag:s8] =	dma.local @!p0 [hbm:s6], $0xF7A  }
0x23: {  	s9 =	sor.u32 $0xD0000000, s2;
	s6 =	simm.s32 $0x108;
	_ =	swait.ge @!p0 [sflag:s8], $0x0  }
0x24: {  	s3 =	sadd.s32 $0x88, s3;
	s6 =	simm.s32 @!p1 $0x1082;
	[sflag:s4] =	ssyncset.s32 $0xFFFFF086  }
0x25: {  	[simem:s6], [sflag:s4] =	dma.local [hbm:s3], $0xF7A  }
0x26: {  	[smem:$0x3F99] =	sst s1;
	(tag) =	ssettag s2;
	_ =	strace s9  }
0x27: {  	s1 =	sld [smem:$0x3FA9]  }
0x28: {  	s2 =	sld [smem:$0x3FAA]  }
0x29: {  	s4 =	sld [smem:$0x3FAC]  }
0x2a: {  	p0 =	seq.s32 s5, $0x0;
	s5 =	sld [smem:$0x3FAD]  }
0x2b: {  	s6 =	sld [smem:$0x3FAE]  }
0x2c: {  	s7 =	sld [smem:$0x3FAF]  }
0x2d: {  	s3 =	simm.s32 $0x108;
	s8 =	sld [smem:$0x3FB0]  }
0x2e: {  	s3 =	simm.s32 @!p0 $0x1082;
	s9 =	sld [smem:$0x3FB1]  }
0x2f: {  	lr =	sadd.s32 s0, s3;
	s0 =	sld [smem:$0x3FA8]  }
0x30: {  	s3 =	sld [smem:$0x3FAB]  }
0x31: {  	[smem:$0x3FB4] =	sst s10  }
0x32: {  	s10 =	sld [smem:$0x3FB2];
	_ =	sdelay $0x3  }
0x33: {  	p0 =	seq.s32 s10, $0x1;
	s10 =	sld [smem:$0x3FB4];
	_ =	sdelay $0x3  }
0x34: {  	[smem:$0x3FB4] =	sst s10  }
0x35: {  	s10 =	sld [smem:$0x3FB3];
	_ =	sdelay $0x3  }
0x36: {  	p1 =	seq.s32 s10, $0x1;
	s10 =	sld [smem:$0x3FB4];
	_ =	sdelay $0x3  }
0x37: {  	[smem:$0x3FB4] =	sst s10  }
0x38: {  	s10 =	sld [smem:$0x3FB5]  }
0x39: {  	_ = 	snop;
	(pc) =	sbr.ind lr, $3  }
0x3a: {  	_ = 	snop  }
0x3b: {  	_ = 	snop  }
0x3c: {  	p2 =	seq.s32 s10, $0x1;
	s10 =	sld [smem:$0x3FB4]  }
0x3d: {  	_ =	shalt  }
0x3e: {  	_ =	shalt  }
0x3f: {  	_ =	shalt  }
0x40: {  	_ =	shalt  }
0x41: {  	_ =	shalt  }
0x42: {  	_ =	shalt  }
0x43: {  	_ =	shalt  }
0x44: {  	_ =	shalt  }
0x45: {  	_ =	shalt  }
0x46: {  	_ =	shalt  }
0x47: {  	_ =	shalt  }
0x48: {  	_ =	shalt  }
0x49: {  	_ =	shalt  }
0x4a: {  	_ =	shalt  }
0x4b: {  	_ =	shalt  }
0x4c: {  	_ =	shalt  }
0x4d: {  	_ =	shalt  }
0x4e: {  	_ =	shalt  }
0x4f: {  	_ =	shalt  }
0x50: {  	_ =	shalt  }
0x51: {  	_ =	shalt  }
0x52: {  	_ =	shalt  }
0x53: {  	_ =	shalt  }
0x54: {  	_ =	shalt  }
0x55: {  	_ =	shalt  }
0x56: {  	_ =	shalt  }
0x57: {  	_ =	shalt  }
0x58: {  	_ =	shalt  }
0x59: {  	_ =	shalt  }
0x5a: {  	_ =	shalt  }
0x5b: {  	_ =	shalt  }
0x5c: {  	_ =	shalt  }
0x5d: {  	_ =	shalt  }
0x5e: {  	_ =	shalt  }
0x5f: {  	_ =	shalt  }
0x60: {  	_ =	shalt  }
0x61: {  	_ =	shalt  }
0x62: {  	_ =	shalt  }
0x63: {  	_ =	shalt  }
0x64: {  	_ =	shalt  }
0x65: {  	_ =	shalt  }
0x66: {  	_ =	shalt  }
0x67: {  	_ =	shalt  }
0x68: {  	_ =	shalt  }
0x69: {  	_ =	shalt  }
0x6a: {  	_ =	shalt  }
0x6b: {  	_ =	shalt  }
0x6c: {  	_ =	shalt  }
0x6d: {  	_ =	shalt  }
0x6e: {  	_ =	shalt  }
0x6f: {  	_ =	shalt  }
0x70: {  	_ =	shalt  }
0x71: {  	_ =	shalt  }
0x72: {  	_ =	shalt  }
0x73: {  	_ =	shalt  }
0x74: {  	_ =	shalt  }
0x75: {  	_ =	shalt  }
0x76: {  	_ =	shalt  }
0x77: {  	_ =	shalt  }
0x78: {  	_ =	shalt  }
0x79: {  	_ =	shalt  }
0x7a: {  	_ =	shalt  }
0x7b: {  	_ =	shalt  }
0x7c: {  	_ =	shalt  }
0x7d: {  	_ =	shalt  }
0x7e: {  	_ =	shalt  }
0x7f: {  	_ =	shalt  }
0x80: {  	_ =	shalt  }
0x81: {  	_ =	shalt  }
0x82: {  	_ =	shalt  }
0x83: {  	_ =	shalt  }
0x84: {  	_ =	shalt  }
0x85: {  	_ =	shalt  }
0x86: {  	_ =	shalt  }
0x87: {  	_ =	shalt  }
.Lfunc_end0:
.L_simem_size_0:
called_computation_lowered:
.L_overlay_start_0:
0x88: {  	s2 =	sld [smem:$0x3FD9]  }
0x89: {  	s3 =	sld [smem:$0x3FFE];
	_ =	sdelay $0x1  }
0x8a: {  	s1 =	srdreg.scid  }
0x8b: {  	s0 =	sand.u32 $0x1, s1  }
0x8c: {  	s14 =	sshll.u32 s0, $0xA;
	s2 =	sadd.s32 s3, s2  }
0x8d: {  	s2 =	sadd.s32 s2, s14  }
0x8e: {  	[smem:$0x3FC0] =	sst s2  }
0x8f: {  	_ = 	snop  }
0x90: {  	s2 =	sld [smem:$0x3FD0];
	_ =	sdelay $0x2  }
0x91: {  	s15 =	simm.s32 $0xA;
	s4 =	simm.s32 $0x10  }
0x92: {  	[smem:s4], [sflag:s15] =	dma.local [hbm:s2], $0x1  }
0x93: {  	_ =	swait.eq [sflag:s15], $0x1  }
0x94: {  	[sflag:s15] =	ssyncset.done $0x0  }
0x95: {  	[sflag:s15] =	ssyncadd.s32 $0xFFFFFFFF  }
0x96: {  	s16 =	sld [smem:$0x13];
	(tm) =	ssettm $0x1  }
0x97: {  	s17 =	sld [smem:$0x3FFB];
	_ =	sdelay $0x3  }
0x98: {  	_ =	strace s17  }
0x99: {  	s3 =	sld [smem:$0x3FFC];
	_ =	sdelay $0x3  }
0x9a: {  	_ =	strace s3  }
0x9b: {  	s3 =	sld [smem:$0x3FFD];
	_ =	sdelay $0x3  }
0x9c: {  	_ =	strace s3  }
0x9d: {  	_ =	strace $0x8FFFFFFF  }
0x9e: {  	s18 =	sld [smem:$0x3FDB];
	_ =	sdelay $0x1  }
0x9f: {  	s19 =	simm.s32 $_scs_section_size  }
0xa0: {  	s5 =	simm.s32 $_size__tile_overlayer_lowered;
	s6 =	simm.s32 $_tile_overlayer_lowered  }
0xa1: {  	s22 =	simm.s32 $0x1BFF;
	s21 =	sshll.u32 s6, $0x1;
	s3 =	sadd.s32 s19, s18  }
0xa2: {  	s7 =	simm.s32 $0x0;
	s20 =	sshll.u32 s5, $0x1;
	s5 =	sadd.s32 s21, s3  }
0xa3: {  	[timem:s7], [sflag:s22] =	dma.local [hbm:s5], s20  }
0xa4: {  	_ =	swait.ge [sflag:s22], s20  }
0xa5: {  	s4 =	ssub.s32 $0x0, s20;
	[sflag:s22] =	ssyncset.done $0x0  }
0xa6: {  	[sflag:s22] =	ssyncadd.s32 s4;
	_ =	sdelay $0x1  }
0xa7: {  	s23 =	simm.s32 $0x1B8B  }
0xa8: {  	_ =	swait.ge [sflag:s23], $0x1  }
0xa9: {  	[sflag:s23] =	ssyncset.done $0x0  }
0xaa: {  	s25 =	simm.s32 $0x1B8E;
	s24 =	sld [smem:$0x3FFE];
	[sflag:s23] =	ssyncadd.s32 $0xFFFFFFFF  }
0xab: {  	s26 =	simm.s32 $execute0_lowered;
	[smem:$0x3FD2] =	sst s25  }
0xac: {  	s5 =	sshll.u32 s26, $0x1;
	_ =	strace $0x80000046;
	[dreg:$0x1] =	wrdreg $0xFFFFFFFF  }
0xad: {  	s28 =	simm.s32 $_size_execute0_lowered;
	s3 =	sadd.s32 s3, s5;
	[dreg:$0x0] =	wrdreg $0x0  }
0xae: {  	s5 =	sshll.u32 s28, $0x1;
	[dreg:$0x2] =	wrdreg s3  }
0xaf: {  	[dreg:$0x3] =	wrdreg s5  }
0xb0: {  	[dreg:$0x4] =	wrdreg $0xC0  }
0xb1: {  	_ =	task [dreg:s7], $0x5FFFF  }
0xb2: {  	[dreg:$0x1] =	wrdreg $0xFFFFFFFF  }
0xb3: {  	[dreg:$0x0] =	wrdreg $0x60  }
0xb4: {  	[dreg:$0x2] =	wrdreg s24  }
0xb5: {  	[dreg:$0x3] =	wrdreg s16  }
0xb6: {  	[dreg:$0x4] =	wrdreg $0x9  }
0xb7: {  	_ =	task.clear_ibuf [dreg:s7], $0x5FFFF;
	_ =	strace $0x90000046  }
0xb8: {  	s29 =	simm.s32 $0x9;
	_ =	strace $0x80000048  }
0xb9: {  	_ =	swait.ge [sflag:s29], $0x1  }
0xba: {  	[sflag:s29] =	ssyncadd.s32 $0xFFFFFFFF  }
0xbb: {  	_ =	strace $0x90000048  }
0xbc: {  	_ =	sfence  }
0xbd: {  	s30 =	sld [smem:$0x0];
	_ =	sdelay $0x2  }
0xbe: {  	s31 =	sshll.u32 s1, $0xD;
	s1 =	sshrl.u32 s1, $0x2  }
0xbf: {  	s3 =	sand.u32 $0x4000, s31;
	s1 =	sadd.s32 s1, s30  }
0xc0: {  	s0 =	sor.u32 s3, s0;
	s1 =	sshll.u32 s1, $0x11  }
0xc1: {  	s0 =	sor.u32 s1, s0  }
0xc2: {  	s0 =	sadd.s32 $0x8F2B, s0  }
0xc3: {  	[sflag:s0] =	ssyncadd.remote.s32 $0x1  }
0xc4: {  	_ =	sfence.sel $0xFFFF  }
0xc5: {  	[dreg:$0x0] =	wrdreg $0xFFFFFFFF;
	(pc) =	sbr.abs _section_cstart, $3  }
0xc6: {  	[dreg:$0x1] =	wrdreg $0xFFFFFFFF  }
0xc7: {  	_ =	task.clear_ibuf [dreg:s7], $0x2FFFF;
	_ =	strace $0x9FFFFFFF  }
0xc8: {  	(tm) =	ssettm $0x7FFFFFFF  }
0xc9: {  	_ =	shalt  }
tec
execute0_lowered:
.L_overlay_start_1:
0x0: {  	(tag) =	ssettag $0x1  }
0x1: {  	s1 =	srdreg.scid  }
0x2: {  	s0 =	stileid.u32;
	s4 =	rddreg [dreg:$0x0]  }
0x3: {  	s15 =	rddreg [dreg:$0x1];
	s2 =	simm.s32 $0x0;
	s18 =	simm.s32 $0x3C0  }
0x4: {  	s19 =	simm.s32 $0x500;
	s20 =	simm.s32 $0x780;
	s21 =	simm.s32 $0x8C0  }
0x5: {  	s22 =	simm.s32 $0xA00;
	s23 =	simm.s32 $0xB40;
	s24 =	simm.s32 $0x1  }
0x6: {  	s3 =	sand.u32 $0x1, s1;
	s30 =	sshll.u32 s0, $0x1;
	s1 =	rddreg [dreg:$0x2]  }
0x7: {  	[smem:$0x7FF] =	sst s2;
	s25 =	sor.u32 s3, s30;
	s3 =	ssub.s32 $0x2, s3  }
0x8: {  	s5 =	smul.u32 $0x13, s25;
	s6 =	smin.u32 s25, $0x11;
	s31 =	sshrl.u32 s3, $0x1  }
0x9: {  	p0 =	slt.u32 s25, $0x11;
	s17 =	ssub.s32 s3, s31;
	s3 =	simm.s32 $0x140  }
0xa: {  	_ =	strace $0x80000047;
	s5 =	sadd.s32 s6, s5;
	s3 =	simm.s32 @!p0 $0x130  }
0xb: {  	p0 =	sgt.u32 s25, $0x10;
	s25 =	simm.s32 $0x0;
	s16 =	sshll.u32 s5, $0x1  }
0xc: {  	s14 =	sadd.s32 s16, s4;
	s4 =	simm.s32 $0x140;
	s15 =	sadd.s32 s15, s16  }
0xd: {  	s16 =	smax.u32 s17, $0x1;
	s17 =	simm.s32 $0x280;
	s5 =	sadd.s32 $0xA00, s14  }
0xe: {  	s6 =	sadd.s32 $0xEE2, s14;
	s7 =	sadd.s32 $0x13C4, s14;
	s8 =	sadd.s32 $0x18A6, s14  }
0xf: {  	s9 =	sadd.s32 $0x1D88, s14;
	s10 =	sadd.s32 $0x226A, s14;
	s11 =	sadd.s32 $0x274C, s14  }
0x10: {  	v0 =	vimm.s32 $0x0;
	s12 =	sadd.s32 $0x2C2E, s14;
	s13 =	sadd.s32 $0x3110, s14;
	s14 =	sadd.s32 $0x35F2, s14  }
.LBB2_1:
0x11: {  	[tilespmem:s2], [sflag:$0x1] =	stream.linear.gather [hbm4b:s5+s2], $0x140, $0x38;
	[tilespmem:$0xE00] =	vst v63  }
0x12: {  	_ = 	snop  }
0x13: {  	[tilespmem:s4], [sflag:$0x1] =	stream.linear.gather [hbm4b:s6+s2], $0x140, $0x38;
	[tilespmem:$0xE00] =	vst v63  }
0x14: {  	_ = 	snop  }
0x15: {  	[tilespmem:s17], [sflag:$0x1] =	stream.linear.gather [hbm4b:s7+s2], $0x140, $0x38;
	[tilespmem:$0xE00] =	vst v63  }
0x16: {  	_ = 	snop  }
0x17: {  	[tilespmem:s18], [sflag:$0x1] =	stream.linear.gather [hbm4b:s8+s2], $0x140, $0x38;
	[tilespmem:$0xE00] =	vst v63  }
0x18: {  	_ = 	snop  }
0x19: {  	[tilespmem:s19], [sflag:$0x1] =	stream.linear.gather [hbm4b:s9+s2], $0x140, $0x38;
	[tilespmem:$0xE00] =	vst v63  }
0x1a: {  	s26 =	simm.s32 $0x640  }
0x1b: {  	[tilespmem:s26], [sflag:$0x1] =	stream.linear.gather [hbm4b:s10+s2], $0x140, $0x38;
	[tilespmem:$0xE00] =	vst v63  }
0x1c: {  	_ = 	snop  }
0x1d: {  	[tilespmem:s20], [sflag:$0x1] =	stream.linear.gather [hbm4b:s11+s2], $0x140, $0x38;
	[tilespmem:$0xE00] =	vst v63  }
0x1e: {  	_ = 	snop  }
0x1f: {  	[tilespmem:s21], [sflag:$0x1] =	stream.linear.gather [hbm4b:s12+s2], $0x140, $0x38;
	[tilespmem:$0xE00] =	vst v63  }
0x20: {  	_ = 	snop  }
0x21: {  	[tilespmem:s22], [sflag:$0x1] =	stream.linear.gather [hbm4b:s13+s2], $0x140, $0x38;
	[tilespmem:$0xE00] =	vst v63  }
0x22: {  	_ = 	snop  }
0x23: {  	[tilespmem:s23], [sflag:$0x1] =	stream.linear.gather [hbm4b:s14+s2], $0x140, $0x38;
	[tilespmem:$0xE00] =	vst v63  }
0x24: {  	_ =	swait.ge [sflag:s24], $0x140  }
0x25: {  	[sflag:s24] =	ssyncset.done $0x0  }
0x26: {  	[sflag:s24] =	ssyncadd.s32 $0xFFFFFEC0  }
0x27: {  	_ =	swait.ge [sflag:s24], $0x140  }
0x28: {  	[sflag:s24] =	ssyncset.done $0x0  }
0x29: {  	[sflag:s24] =	ssyncadd.s32 $0xFFFFFEC0  }
0x2a: {  	_ =	swait.ge [sflag:s24], $0x140  }
0x2b: {  	[sflag:s24] =	ssyncset.done $0x0  }
0x2c: {  	[sflag:s24] =	ssyncadd.s32 $0xFFFFFEC0  }
0x2d: {  	_ =	swait.ge [sflag:s24], $0x140  }
0x2e: {  	[sflag:s24] =	ssyncset.done $0x0  }
0x2f: {  	[sflag:s24] =	ssyncadd.s32 $0xFFFFFEC0  }
0x30: {  	_ =	swait.ge [sflag:s24], $0x140  }
0x31: {  	[sflag:s24] =	ssyncset.done $0x0  }
0x32: {  	[sflag:s24] =	ssyncadd.s32 $0xFFFFFEC0  }
0x33: {  	_ =	swait.ge [sflag:s24], $0x140  }
0x34: {  	[sflag:s24] =	ssyncset.done $0x0  }
0x35: {  	[sflag:s24] =	ssyncadd.s32 $0xFFFFFEC0  }
0x36: {  	_ =	swait.ge [sflag:s24], $0x140  }
0x37: {  	[sflag:s24] =	ssyncset.done $0x0  }
0x38: {  	[sflag:s24] =	ssyncadd.s32 $0xFFFFFEC0  }
0x39: {  	_ =	swait.ge [sflag:s24], $0x140  }
0x3a: {  	[sflag:s24] =	ssyncset.done $0x0  }
0x3b: {  	[sflag:s24] =	ssyncadd.s32 $0xFFFFFEC0  }
0x3c: {  	_ =	swait.ge [sflag:s24], $0x140  }
0x3d: {  	[sflag:s24] =	ssyncset.done $0x0  }
0x3e: {  	[sflag:s24] =	ssyncadd.s32 $0xFFFFFEC0  }
0x3f: {  	_ =	swait.ge [sflag:s24], $0x140  }
0x40: {  	[sflag:s24] =	ssyncset.done $0x0  }
0x41: {  	[sflag:s24] =	ssyncadd.s32 $0xFFFFFEC0  }
0x42: {  	v1 =	vld [tilespmem:s26+$0xFFFFFB00]  }
0x43: {  	v2 =	vld [tilespmem:s26+$0xFFFFF9C0]  }
0x44: {  	s28 =	sand.u32 $0xFFFFFFF0, s2  }
0x45: {  	v3 =	vld [tilespmem:s28+$0x280];
	_ =	sdelay $0x1  }
0x46: {  	v4 =	vld [tilespmem:s26+$0xFFFFFD80]  }
0x47: {  	vm0 =	vgt.f32 v1, v2  }
0x48: {  	v1 =	vsel vm0, v1, v2;
	v2 =	vld [tilespmem:s28+$0x500]  }
0x49: {  	vm1 =	vgt.f32 v3, v1  }
0x4a: {  	v1 =	vsel vm1, v3, v1;
	v3 =	vld [tilespmem:s26+$0x0]  }
0x4b: {  	vm2 =	vgt.f32 v4, v1  }
0x4c: {  	v62 =	vld [tilespmem:s28+$0x780];
	v1 =	vsel vm2, v4, v1  }
0x4d: {  	vm3 =	vgt.f32 v2, v1  }
0x4e: {  	v1 =	vsel vm3, v2, v1;
	v2 =	vld [tilespmem:s26+$0x280]  }
0x4f: {  	vm4 =	vgt.f32 v3, v1  }
0x50: {  	v5 =	vsel vm0, $0x1, v0;
	v1 =	vsel vm4, v3, v1;
	v3 =	vld [tilespmem:s28+$0xA00]  }
0x51: {  	v5 =	vsel vm1, $0x2, v5;
	vm12 =	vgt.f32 v62, v1  }
0x52: {  	v63 =	vld [tilespmem:s26+$0x500];
	v5 =	vsel vm2, $0x3, v5;
	v1 =	vsel vm12, v62, v1  }
0x53: {  	v5 =	vsel vm3, $0x4, v5;
	vm13 =	vgt.f32 v2, v1  }
0x54: {  	p1 =	sne.s32 s3, $0x10;
	v5 =	vsel vm4, $0x5, v5;
	v1 =	vsel vm13, v2, v1  }
.Ltmp0:
0x55: {  	v2 =	vsel vm12, $0x6, v5;
	vm14 =	vgt.f32 v3, v1;
	(pc) =	sbr.rel @!p1 .LBB2_3-.Ltmp0, $4  }
0x56: {  	v2 =	vsel vm13, $0x7, v2;
	v1 =	vsel vm14, v3, v1  }
0x57: {  	v2 =	vsel vm14, $0x8, v2;
	vm15 =	vgt.f32 v63, v1  }
0x58: {  	s26 =	simm.s32 $0xC80;
	v1 =	vsel vm15, $0x9, v2  }
0x59: {  	s29 =	simm.s32 $0x650;
	s28 =	simm.s32 $0x10;
	[tilespmem:s26+$0x0] =	vst v1  }
.LBB2_2:
0x5a: {  	v1 =	vld [tilespmem:s29+$0xFFFFFB00];
	s30 =	smov.u32 s28  }
0x5b: {  	s28 =	sadd.s32 $0x10, s28;
	v2 =	vld [tilespmem:s29+$0xFFFFF9C0]  }
0x5c: {  	s30 =	sand.u32 $0xFFFFFFF0, s30;
	p1 =	sne.s32 s3, s28  }
0x5d: {  	v3 =	vld [tilespmem:s30+$0x280];
	_ =	sdelay $0x1  }
0x5e: {  	v4 =	vld [tilespmem:s29+$0xFFFFFD80]  }
0x5f: {  	vm0 =	vgt.f32 v1, v2  }
0x60: {  	v1 =	vsel vm0, v1, v2;
	v2 =	vld [tilespmem:s30+$0x500]  }
0x61: {  	vm1 =	vgt.f32 v3, v1  }
0x62: {  	v1 =	vsel vm1, v3, v1;
	v3 =	vld [tilespmem:s29+$0x0]  }
0x63: {  	vm2 =	vgt.f32 v4, v1  }
0x64: {  	v1 =	vsel vm2, v4, v1;
	v4 =	vld [tilespmem:s30+$0x780]  }
0x65: {  	vm3 =	vgt.f32 v2, v1  }
0x66: {  	v1 =	vsel vm3, v2, v1;
	v2 =	vld [tilespmem:s29+$0x280]  }
0x67: {  	vm4 =	vgt.f32 v3, v1  }
0x68: {  	v5 =	vsel vm0, $0x1, v0;
	v1 =	vsel vm4, v3, v1;
	v3 =	vld [tilespmem:s30+$0xA00]  }
0x69: {  	v5 =	vsel vm1, $0x2, v5;
	vm0 =	vgt.f32 v4, v1  }
0x6a: {  	v5 =	vsel vm2, $0x3, v5;
	v1 =	vsel vm0, v4, v1;
	v4 =	vld [tilespmem:s29+$0x500]  }
0x6b: {  	v5 =	vsel vm3, $0x4, v5;
	vm1 =	vgt.f32 v2, v1  }
0x6c: {  	v5 =	vsel vm4, $0x5, v5;
	v1 =	vsel vm1, v2, v1  }
.Ltmp1:
0x6d: {  	v2 =	vsel vm0, $0x6, v5;
	vm0 =	vgt.f32 v3, v1;
	(pc) =	sbr.rel @p1 .LBB2_2-.Ltmp1, $4  }
0x6e: {  	v2 =	vsel vm1, $0x7, v2;
	v1 =	vsel vm0, v3, v1  }
0x6f: {  	v2 =	vsel vm0, $0x8, v2;
	vm0 =	vgt.f32 v4, v1  }
0x70: {  	s26 =	sadd.s32 $0x10, s26;
	v1 =	vsel vm0, $0x9, v2  }
0x71: {  	s29 =	sadd.s32 $0x10, s29;
	[tilespmem:s26+$0x0] =	vst v1  }
.LBB2_3:
0x72: {  	s26 =	simm.s32 @p0 $0x0;
	s28 =	simm.s32 @p0 $0xC80  }
0x73: {  	[hbm4b:s15+s26] =	stream.linear.scatter @p0 [tilespmem:s28], [sflag:$0x2], $0x130, $0x38;
	[tilespmem:$0xE00] =	vst v63  }
0x74: {  	s26 =	simm.s32 @p0 $0x2  }
0x75: {  	_ =	swait.ge @p0 [sflag:s26], $0x130  }
0x76: {  	s25 =	sadd.s32 $0x1, s25;
	s28 =	simm.s32 @!p0 $0xC80;
	[sflag:s26] =	ssyncset.done @p0 $0x0  }
0x77: {  	p1 =	sne.s32 s25, s16;
	[sflag:s26] =	ssyncadd.s32 @p0 $0xFFFFFED0;
	s26 =	simm.s32 @!p0 $0x0  }
0x78: {  	[hbm4b:s15+s26] =	stream.linear.scatter @!p0 [tilespmem:s28], [sflag:$0x2], $0x140, $0x38;
	[tilespmem:$0xE00] =	vst v63  }
.Ltmp2:
0x79: {  	_ = 	snop;
	(pc) =	sbr.rel @p1 .LBB2_1-.Ltmp2, $4  }
0x7a: {  	s26 =	simm.s32 @!p0 $0x2  }
0x7b: {  	_ =	swait.ge @!p0 [sflag:s26], $0x140  }
0x7c: {  	[sflag:s26] =	ssyncset.done @!p0 $0x0  }
0x7d: {  	[sflag:s26] =	ssyncadd.s32 @!p0 $0xFFFFFEC0  }
0x7e: {  	_ =	sfence.sel $0x180000  }
0x7f: {  	[bflag:$0x0] =	sbarrier.arrive $0xFFFF  }
0x80: {  	p0 =	sne.s32 s0, $0x0;
	_ =	strace $0x90000047  }
0x81: {  	s0 =	sadd.s32 @!p0 $0x100000, s1;
	[bflag:$0x2] =	sbarrier.arrive $0xFFFF  }
0x82: {  	[sflag:s0] =	ssyncadd.tile.s32 @!p0 $0x1;
	_ =	shalt  }
.Lfunc_end2:
_tile_overlayer_lowered:
.L_overlay_start_2:
0x83: {  	(tag) =	ssettag $0x2  }
0x84: {  	s0 =	rddreg [dreg:$0x0];
	s2 =	stileid.u32  }
0x85: {  	s1 =	rddreg [dreg:$0x1];
	p0 =	sne.s32 s2, $0x0  }
0x86: {  	s3 =	rddreg [dreg:$0x2];
	[bflag:$0x3] =	sbarrier.arrive $0xFFFF;
	s2 =	simm.s32 @!p0 $0x1C03  }
0x87: {  	[timem:s3], [sflag:s2] =	dma.local @!p0 [hbm:s0], s1  }
0x88: {  	s0 =	simm.s32 @!p0 $0x3  }
0x89: {  	_ =	swait.ge @!p0 [sflag:s0], s1  }
0x8a: {  	s1 =	ssub.s32 @!p0 $0x0, s1;
	[sflag:s0] =	ssyncset.done @!p0 $0x0  }
0x8b: {  	[sflag:s0] =	ssyncadd.s32 @!p0 s1  }
0x8c: {  	[bflag:$0x3] =	sbarrier.arrive $0xFFFF  }
0x8d: {  	_ =	shalt  }

</sc_bundles>
